<compile_context>
chip_gen: v7x
topology: tpu7x:2x2x1
jax: 0.10.2.dev20260603
libtpu: 0.0.44.dev20260713+nightly
codegen_flags: <defaults>
</compile_context>

<pallas_src>
import functools

import jax
import jax.numpy as jnp
from jax import lax
from jax.experimental import pallas as pl
from jax.experimental.pallas import tpu as pltpu
from jax.experimental.pallas import tpu_sc as plsc

NC = 2
NS = 16
NW = NC * NS

K = 125
NCH = 80
NCH2 = NCH // 2


@functools.cache
def _make_sc_segment_sum(NTP, D):
    rows_per_tile = NTP // NS
    mesh = plsc.VectorSubcoreMesh(core_axis_name="c", subcore_axis_name="s")

    @functools.partial(
        pl.kernel,
        out_type=jax.ShapeDtypeStruct((NC, NTP, D), jnp.float32),
        mesh=mesh,
        scratch_types=[
            pltpu.VMEM((NCH2, K), jnp.int32),
            pltpu.VMEM((NCH2, K), jnp.int32),
            pltpu.VMEM((K, D), jnp.float32),
            pltpu.VMEM((K, D), jnp.float32),
            pltpu.VMEM_SHARED((NTP, D), jnp.float32),
            pltpu.SemaphoreType.DMA,
            pltpu.SemaphoreType.DMA,
            pltpu.SemaphoreType.DMA,
            pltpu.SemaphoreType.DMA,
        ],
    )
    def sc_kernel(x0_hbm, eidx_hbm, zeros_hbm, out_hbm,
                  src_v, dst_v, gbuf0, gbuf1, acc, sem0, sem1, ssem0, ssem1):
        c = lax.axis_index("c")
        s = lax.axis_index("s")
        wid = s * NC + c

        pltpu.sync_copy(zeros_hbm, acc.at[pl.ds(s * rows_per_tile, rows_per_tile)])
        plsc.subcore_barrier()

        for h in range(2):
            pltpu.sync_copy(eidx_hbm.at[0, wid, pl.ds(h * NCH2, NCH2)], src_v)
            pltpu.sync_copy(eidx_hbm.at[1, wid, pl.ds(h * NCH2, NCH2)], dst_v)
            pltpu.async_copy(x0_hbm.at[src_v.at[0]], gbuf0, sem0)

            @pl.loop(0, NCH2, step=2)
            def _(jj):
                pltpu.make_async_copy(x0_hbm.at[src_v.at[jj]], gbuf0, sem0).wait()
                pltpu.async_copy(gbuf0, acc.at[dst_v.at[jj]], ssem0, add=True)

                @pl.when(jj > 0)
                def _():
                    pltpu.make_async_copy(gbuf1, acc.at[dst_v.at[jj]], ssem1).wait()

                pltpu.async_copy(x0_hbm.at[src_v.at[jj + 1]], gbuf1, sem1)
                pltpu.make_async_copy(x0_hbm.at[src_v.at[jj]], gbuf1, sem1).wait()
                pltpu.async_copy(gbuf1, acc.at[dst_v.at[jj + 1]], ssem1, add=True)

                pltpu.make_async_copy(gbuf0, acc.at[dst_v.at[jj]], ssem0).wait()

                @pl.when(jj + 2 < NCH2)
                def _():
                    pltpu.async_copy(x0_hbm.at[src_v.at[jj + 2]], gbuf0, sem0)

            pltpu.make_async_copy(gbuf1, acc.at[dst_v.at[0]], ssem1).wait()

        plsc.subcore_barrier()
        pltpu.sync_copy(
            acc.at[pl.ds(s * rows_per_tile, rows_per_tile)],
            out_hbm.at[c, pl.ds(s * rows_per_tile, rows_per_tile)],
        )

    return sc_kernel


def _mlp_body(eps_ref, x1_ref, p0_ref, p1_ref, w1_ref, b1_ref, w2_ref, b2_ref,
              out_ref):
    h = (1.0 + eps_ref[0, 0]) * x1_ref[...] + p0_ref[0] + p1_ref[0]
    h = jnp.dot(h, w1_ref[...], preferred_element_type=jnp.float32) + b1_ref[...]
    h = jnp.maximum(h, 0.0)
    h = jnp.dot(h, w2_ref[...], preferred_element_type=jnp.float32) + b2_ref[...]
    out_ref[...] = jnp.maximum(h, 0.0)


@functools.cache
def _make_tc_mlp(NT, D, BLK):
    row_spec = pl.BlockSpec((BLK, D), lambda i: (i, 0))
    p0_spec = pl.BlockSpec((1, BLK, D), lambda i: (0, i, 0))
    p1_spec = pl.BlockSpec((1, BLK, D), lambda i: (1, i, 0))
    full_spec = pl.BlockSpec((D, D), lambda i: (0, 0))
    bias_spec = pl.BlockSpec((1, D), lambda i: (0, 0))
    return pl.pallas_call(
        _mlp_body,
        grid=(NT // BLK,),
        in_specs=[
            pl.BlockSpec(memory_space=pltpu.SMEM),
            row_spec, p0_spec, p1_spec,
            full_spec, bias_spec, full_spec, bias_spec,
        ],
        out_specs=row_spec,
        out_shape=jax.ShapeDtypeStruct((NT, D), jnp.float32),
    )


def kernel(x_0, x_1, edge_index_incidence_0_1, W1, b1, W2, b2, eps):
    NT, D = x_1.shape
    NTP = ((NT + NS * 8 - 1) // (NS * 8)) * NS * 8
    eidx = edge_index_incidence_0_1.astype(jnp.int32).reshape(2, NW, NCH, K)
    zeros = jnp.zeros((NTP // NS, D), jnp.float32)

    partials = _make_sc_segment_sum(NTP, D)(x_0, eidx, zeros)

    eps2 = jnp.reshape(eps, (1, 1)).astype(jnp.float32)
    out = _make_tc_mlp(NT, D, 2000)(
        eps2, x_1, partials, partials,
        W1, b1.reshape(1, D), W2, b2.reshape(1, D),
    )
    return out

# --- scband reference (transcript-rebuilt; emitter-appended) ---
"""Pipeline reference for scband-incidence-conv-6227702579796 (READ-ONLY COPY).

The authoritative reference and input builder live on the scoring server;
editing this copy changes nothing except your own understanding.
"""

import jax, jax.numpy as jnp
import numpy as np

N_S = 10000
N_T = 10000
E = 320000
D = 128


def setup_inputs(seed: int = 0) -> dict:
    key = jax.random.key(seed)
    ks = jax.random.split(key, 8)
    x_0 = jax.random.normal(ks[0], (N_S, D), dtype=jnp.float32)
    x_1 = jax.random.normal(ks[1], (N_T, D), dtype=jnp.float32)
    src = jax.random.randint(ks[2], (E,), 0, N_S)
    dst = jax.random.randint(ks[3], (E,), 0, N_T)
    edge_index = jnp.stack([src, dst], axis=0)
    # MLP params: two Linear(D, D) layers (kaiming-uniform-like init), no batchnorm
    lim = 1.0 / np.sqrt(D)
    W1 = jax.random.uniform(ks[4], (D, D), minval=-lim, maxval=lim, dtype=jnp.float32)
    b1 = jax.random.uniform(ks[5], (D,), minval=-lim, maxval=lim, dtype=jnp.float32)
    W2 = jax.random.uniform(ks[6], (D, D), minval=-lim, maxval=lim, dtype=jnp.float32)
    b2 = jax.random.uniform(ks[7], (D,), minval=-lim, maxval=lim, dtype=jnp.float32)
    eps = jnp.zeros((), dtype=jnp.float32)  # GIN trainable eps, init 0
    return {
        "x_0": x_0,
        "x_1": x_1,
        "edge_index_incidence_0_1": edge_index,
        "W1": W1,
        "b1": b1,
        "W2": W2,
        "b2": b2,
        "eps": eps,
    }


def reference(x_0, x_1, edge_index_incidence_0_1, W1, b1, W2, b2, eps):
    # IncidenceConv forward, input_rank=0 < output_rank=1 so incidence used as-is.
    # GINConv bipartite: out = mlp((1 + eps) * x_t + sum_{(s,t) in E} x_s)
    src = edge_index_incidence_0_1[0]
    dst = edge_index_incidence_0_1[1]
    msgs = jnp.take(x_0, src, axis=0)                 # gather  [E, D]
    agg = jnp.zeros_like(x_1).at[dst].add(msgs)       # scatter-add [N_T, D]
    h = (1.0 + eps) * x_1 + agg
    # mlp: Linear -> ReLU -> Linear -> ReLU (batch_norm=False)
    h = jax.nn.relu(h @ W1 + b1)
    h = jax.nn.relu(h @ W2 + b2)
    # add_residual=False -> return h directly
    return h

if __name__ == "__main__":
    import jax
    _d = setup_inputs()
    print(jax.jit(kernel)(*tuple(_d.values())))

</pallas_src>

<mosaic_0001>
#map = affine_map<(d0, d1) -> (0, 0)>
#map1 = affine_map<(d0, d1) -> (0, 0, 0, 0)>
#map2 = affine_map<(d0, d1) -> (0, 0, 0)>
module attributes {stable_mosaic.version = 14 : i64} {
  func.func @sc_kernel(%arg0: i32, %arg1: i32, %arg2: memref<10000x128xf32, #tpu.memory_space<hbm>>, %arg3: memref<2x32x80x125xi32, #tpu.memory_space<hbm>>, %arg4: memref<632x128xf32, #tpu.memory_space<hbm>>, %arg5: memref<2x10112x128xf32, #tpu.memory_space<hbm>>, %arg6: memref<40x125xi32, #tpu.memory_space<vmem>>, %arg7: memref<40x125xi32, #tpu.memory_space<vmem>>, %arg8: memref<125x128xf32, #tpu.memory_space<vmem>>, %arg9: memref<125x128xf32, #tpu.memory_space<vmem>>, %arg10: memref<10112x128xf32, #tpu.memory_space<vmem_shared>>, %arg11: memref<!tpu.dma_semaphore, #tpu.memory_space<semaphore_mem>>, %arg12: memref<!tpu.dma_semaphore, #tpu.memory_space<semaphore_mem>>, %arg13: memref<!tpu.dma_semaphore, #tpu.memory_space<semaphore_mem>>, %arg14: memref<!tpu.dma_semaphore, #tpu.memory_space<semaphore_mem>>) attributes {dimension_semantics = [#tpu.dimension_semantics<core_parallel>, #tpu.dimension_semantics<subcore_parallel>], iteration_bounds = array<i64: 2, 16>, scalar_prefetch = 0 : i64, scratch_operands = 9 : i64, tpu.core_type = #tpu.core_type<sc_vector_subcore>, window_params = [{transform_indices = #map}, {transform_indices = #map1}, {transform_indices = #map}, {transform_indices = #map2}]} {
    %mul3A = arith.constant 2 : i32
    %mul3A_0 = arith.muli %arg1, %mul3A : i32
    %add3A = arith.addi %mul3A_0, %arg0 : i32
    %mul3A_1 = arith.constant 632 : i32
    %mul3A_2 = arith.muli %arg1, %mul3A_1 : i32
    "tpu.region"() ({
      %run_scoped3A_46 = tpu.sem_alloc : memref<!tpu.dma_semaphore, #tpu.memory_space<semaphore_mem>>
      %dma_start3A_47 = arith.constant 0 : i32
      %dma_start3A_48 = tpu.memref_slice %arg10[%mul3A_2, %dma_start3A_47] : memref<10112x128xf32, #tpu.memory_space<vmem_shared>> -> memref<632x128xf32, #tpu.memory_space<vmem_shared>>
      tpu.enqueue_dma source(%arg4 : memref<632x128xf32, #tpu.memory_space<hbm>>) target(%dma_start3A_48 : memref<632x128xf32, #tpu.memory_space<vmem_shared>>) target_semaphore(%run_scoped3A_46 : memref<!tpu.dma_semaphore, #tpu.memory_space<semaphore_mem>>)
      %dma_wait3A_49 = arith.constant 0 : i32
      %dma_wait3A_50 = tpu.memref_slice %arg10[%mul3A_2, %dma_wait3A_49] : memref<10112x128xf32, #tpu.memory_space<vmem_shared>> -> memref<632x128xf32, #tpu.memory_space<vmem_shared>>
      tpu.wait_dma2 semaphore(%run_scoped3A_46 : memref<!tpu.dma_semaphore, #tpu.memory_space<semaphore_mem>>) src(%arg4 : memref<632x128xf32, #tpu.memory_space<hbm>>) dst(%dma_wait3A_50 : memref<632x128xf32, #tpu.memory_space<vmem_shared>>)
      tpu.yield
    }) : () -> ()
    %barrier3A = arith.constant 0 : index
    tpu.barrier barrier_id(%barrier3A)
    %run_scoped3A = arith.constant 0 : i32
    "tpu.region"() ({
      %run_scoped3A_46 = tpu.sem_alloc : memref<!tpu.dma_semaphore, #tpu.memory_space<semaphore_mem>>
      %dma_start3A_47 = arith.constant 0 : i32
      %dma_start3A_48 = arith.constant 0 : i32
      %dma_start3A_49 = tpu.memref_slice %arg3[%run_scoped3A, %add3A, %dma_start3A_47, %dma_start3A_48] : memref<2x32x80x125xi32, #tpu.memory_space<hbm>> -> memref<1x1x40x125xi32, #tpu.memory_space<hbm>>
      %dma_start3A_50 = tpu.memref_squeeze %dma_start3A_49 : memref<1x1x40x125xi32, #tpu.memory_space<hbm>> -> memref<40x125xi32, #tpu.memory_space<hbm>>
      %dma_start3A_51 = arith.constant 0 : i32
      %dma_start3A_52 = arith.constant 0 : i32
      %dma_start3A_53 = tpu.memref_slice %arg3[%run_scoped3A, %add3A, %dma_start3A_51, %dma_start3A_52] : memref<2x32x80x125xi32, #tpu.memory_space<hbm>> -> memref<1x1x40x125xi32, #tpu.memory_space<hbm>>
      %dma_start3A_54 = tpu.memref_squeeze %dma_start3A_53 : memref<1x1x40x125xi32, #tpu.memory_space<hbm>> -> memref<40x125xi32, #tpu.memory_space<hbm>>
      tpu.enqueue_dma source(%dma_start3A_54 : memref<40x125xi32, #tpu.memory_space<hbm>>) target(%arg6 : memref<40x125xi32, #tpu.memory_space<vmem>>) target_semaphore(%run_scoped3A_46 : memref<!tpu.dma_semaphore, #tpu.memory_space<semaphore_mem>>)
      %dma_wait3A_55 = arith.constant 0 : i32
      %dma_wait3A_56 = arith.constant 0 : i32
      %dma_wait3A_57 = tpu.memref_slice %arg3[%run_scoped3A, %add3A, %dma_wait3A_55, %dma_wait3A_56] : memref<2x32x80x125xi32, #tpu.memory_space<hbm>> -> memref<1x1x40x125xi32, #tpu.memory_space<hbm>>
      %dma_wait3A_58 = tpu.memref_squeeze %dma_wait3A_57 : memref<1x1x40x125xi32, #tpu.memory_space<hbm>> -> memref<40x125xi32, #tpu.memory_space<hbm>>
      %dma_wait3A_59 = arith.constant 0 : i32
      %dma_wait3A_60 = arith.constant 0 : i32
      %dma_wait3A_61 = tpu.memref_slice %arg3[%run_scoped3A, %add3A, %dma_wait3A_59, %dma_wait3A_60] : memref<2x32x80x125xi32, #tpu.memory_space<hbm>> -> memref<1x1x40x125xi32, #tpu.memory_space<hbm>>
      %dma_wait3A_62 = tpu.memref_squeeze %dma_wait3A_61 : memref<1x1x40x125xi32, #tpu.memory_space<hbm>> -> memref<40x125xi32, #tpu.memory_space<hbm>>
      tpu.wait_dma2 semaphore(%run_scoped3A_46 : memref<!tpu.dma_semaphore, #tpu.memory_space<semaphore_mem>>) src(%dma_wait3A_62 : memref<40x125xi32, #tpu.memory_space<hbm>>) dst(%arg6 : memref<40x125xi32, #tpu.memory_space<vmem>>)
      tpu.yield
    }) : () -> ()
    %run_scoped3A_3 = arith.constant 1 : i32
    "tpu.region"() ({
      %run_scoped3A_46 = tpu.sem_alloc : memref<!tpu.dma_semaphore, #tpu.memory_space<semaphore_mem>>
      %dma_start3A_47 = arith.constant 0 : i32
      %dma_start3A_48 = arith.constant 0 : i32
      %dma_start3A_49 = tpu.memref_slice %arg3[%run_scoped3A_3, %add3A, %dma_start3A_47, %dma_start3A_48] : memref<2x32x80x125xi32, #tpu.memory_space<hbm>> -> memref<1x1x40x125xi32, #tpu.memory_space<hbm>>
      %dma_start3A_50 = tpu.memref_squeeze %dma_start3A_49 : memref<1x1x40x125xi32, #tpu.memory_space<hbm>> -> memref<40x125xi32, #tpu.memory_space<hbm>>
      %dma_start3A_51 = arith.constant 0 : i32
      %dma_start3A_52 = arith.constant 0 : i32
      %dma_start3A_53 = tpu.memref_slice %arg3[%run_scoped3A_3, %add3A, %dma_start3A_51, %dma_start3A_52] : memref<2x32x80x125xi32, #tpu.memory_space<hbm>> -> memref<1x1x40x125xi32, #tpu.memory_space<hbm>>
      %dma_start3A_54 = tpu.memref_squeeze %dma_start3A_53 : memref<1x1x40x125xi32, #tpu.memory_space<hbm>> -> memref<40x125xi32, #tpu.memory_space<hbm>>
      tpu.enqueue_dma source(%dma_start3A_54 : memref<40x125xi32, #tpu.memory_space<hbm>>) target(%arg7 : memref<40x125xi32, #tpu.memory_space<vmem>>) target_semaphore(%run_scoped3A_46 : memref<!tpu.dma_semaphore, #tpu.memory_space<semaphore_mem>>)
      %dma_wait3A_55 = arith.constant 0 : i32
      %dma_wait3A_56 = arith.constant 0 : i32
      %dma_wait3A_57 = tpu.memref_slice %arg3[%run_scoped3A_3, %add3A, %dma_wait3A_55, %dma_wait3A_56] : memref<2x32x80x125xi32, #tpu.memory_space<hbm>> -> memref<1x1x40x125xi32, #tpu.memory_space<hbm>>
      %dma_wait3A_58 = tpu.memref_squeeze %dma_wait3A_57 : memref<1x1x40x125xi32, #tpu.memory_space<hbm>> -> memref<40x125xi32, #tpu.memory_space<hbm>>
      %dma_wait3A_59 = arith.constant 0 : i32
      %dma_wait3A_60 = arith.constant 0 : i32
      %dma_wait3A_61 = tpu.memref_slice %arg3[%run_scoped3A_3, %add3A, %dma_wait3A_59, %dma_wait3A_60] : memref<2x32x80x125xi32, #tpu.memory_space<hbm>> -> memref<1x1x40x125xi32, #tpu.memory_space<hbm>>
      %dma_wait3A_62 = tpu.memref_squeeze %dma_wait3A_61 : memref<1x1x40x125xi32, #tpu.memory_space<hbm>> -> memref<40x125xi32, #tpu.memory_space<hbm>>
      tpu.wait_dma2 semaphore(%run_scoped3A_46 : memref<!tpu.dma_semaphore, #tpu.memory_space<semaphore_mem>>) src(%dma_wait3A_62 : memref<40x125xi32, #tpu.memory_space<hbm>>) dst(%arg7 : memref<40x125xi32, #tpu.memory_space<vmem>>)
      tpu.yield
    }) : () -> ()
    %dma_start3A = arith.constant 0 : i32
    %dma_start3A_4 = arith.constant 0 : i32
    %dma_start3A_5 = tpu.memref_slice %arg6[%dma_start3A, %dma_start3A_4] : memref<40x125xi32, #tpu.memory_space<vmem>> -> memref<1x125xi32, #tpu.memory_space<vmem>>
    %dma_start3A_6 = tpu.memref_squeeze %dma_start3A_5 : memref<1x125xi32, #tpu.memory_space<vmem>> -> memref<125xi32, #tpu.memory_space<vmem>>
    %dma_start3A_7 = arith.constant 0 : i32
    %dma_start3A_8 = arith.constant 0 : i32
    %dma_start3A_9 = tpu.memref_slice %arg2[%dma_start3A_7, %dma_start3A_8] : memref<10000x128xf32, #tpu.memory_space<hbm>> -> memref<10000x128xf32, #tpu.memory_space<hbm>>
    tpu.enqueue_indirect_dma source(%dma_start3A_9 : memref<10000x128xf32, #tpu.memory_space<hbm>>) target(%arg8 : memref<125x128xf32, #tpu.memory_space<vmem>>) offsets(%dma_start3A_6 : memref<125xi32, #tpu.memory_space<vmem>>) semaphore(%arg11 : memref<!tpu.dma_semaphore, #tpu.memory_space<semaphore_mem>>)
    %scan3A = arith.constant 0 : i32
    %scan3A_10 = arith.constant 20 : i32
    %scan3A_11 = arith.addi %scan3A, %scan3A_10 : i32
    %scan3A_12 = arith.constant 1 : i32
    scf.for %scan3A_46 = %scan3A to %scan3A_11 step %scan3A_12  : i32 {
      %mul3A_47 = arith.constant 2 : i32
      %mul3A_48 = arith.muli %scan3A_46, %mul3A_47 : i32
      %add3A_49 = arith.constant 0 : i32
      %add3A_50 = arith.addi %add3A_49, %mul3A_48 : i32
      %dma_wait3A_51 = arith.constant 0 : i32
      %dma_wait3A_52 = tpu.memref_slice %arg6[%add3A_50, %dma_wait3A_51] : memref<40x125xi32, #tpu.memory_space<vmem>> -> memref<1x125xi32, #tpu.memory_space<vmem>>
      %dma_wait3A_53 = tpu.memref_squeeze %dma_wait3A_52 : memref<1x125xi32, #tpu.memory_space<vmem>> -> memref<125xi32, #tpu.memory_space<vmem>>
      %dma_wait3A_54 = arith.constant 0 : i32
      %dma_wait3A_55 = arith.constant 0 : i32
      %dma_wait3A_56 = tpu.memref_slice %arg2[%dma_wait3A_54, %dma_wait3A_55] : memref<10000x128xf32, #tpu.memory_space<hbm>> -> memref<10000x128xf32, #tpu.memory_space<hbm>>
      tpu.wait_indirect_dma semaphore(%arg11 : memref<!tpu.dma_semaphore, #tpu.memory_space<semaphore_mem>>) src(%dma_wait3A_56 : memref<10000x128xf32, #tpu.memory_space<hbm>>) dst(%arg8 : memref<125x128xf32, #tpu.memory_space<vmem>>)
      %dma_start3A_57 = arith.constant 0 : i32
      %dma_start3A_58 = tpu.memref_slice %arg7[%add3A_50, %dma_start3A_57] : memref<40x125xi32, #tpu.memory_space<vmem>> -> memref<1x125xi32, #tpu.memory_space<vmem>>
      %dma_start3A_59 = tpu.memref_squeeze %dma_start3A_58 : memref<1x125xi32, #tpu.memory_space<vmem>> -> memref<125xi32, #tpu.memory_space<vmem>>
      %dma_start3A_60 = arith.constant 0 : i32
      %dma_start3A_61 = arith.constant 0 : i32
      %dma_start3A_62 = tpu.memref_slice %arg10[%dma_start3A_60, %dma_start3A_61] : memref<10112x128xf32, #tpu.memory_space<vmem_shared>> -> memref<10112x128xf32, #tpu.memory_space<vmem_shared>>
      tpu.enqueue_indirect_dma source(%arg8 : memref<125x128xf32, #tpu.memory_space<vmem>>) target(%dma_start3A_62 : memref<10112x128xf32, #tpu.memory_space<vmem_shared>>) offsets(%dma_start3A_59 : memref<125xi32, #tpu.memory_space<vmem>>) semaphore(%arg13 : memref<!tpu.dma_semaphore, #tpu.memory_space<semaphore_mem>>) {add = true}
      %gt3A = arith.constant 0 : i32
      %gt3A_63 = arith.cmpi sgt, %add3A_50, %gt3A : i32
      %convert_element_type3A = arith.extui %gt3A_63 : i1 to i32
      %cond3A = arith.constant 0 : i32
      %cond3A_64 = arith.cmpi ne, %convert_element_type3A, %cond3A : i32
      scf.if %cond3A_64 {
        %dma_wait3A_99 = arith.constant 0 : i32
        %dma_wait3A_100 = tpu.memref_slice %arg7[%add3A_50, %dma_wait3A_99] : memref<40x125xi32, #tpu.memory_space<vmem>> -> memref<1x125xi32, #tpu.memory_space<vmem>>
        %dma_wait3A_101 = tpu.memref_squeeze %dma_wait3A_100 : memref<1x125xi32, #tpu.memory_space<vmem>> -> memref<125xi32, #tpu.memory_space<vmem>>
        %dma_wait3A_102 = arith.constant 0 : i32
        %dma_wait3A_103 = arith.constant 0 : i32
        %dma_wait3A_104 = tpu.memref_slice %arg10[%dma_wait3A_102, %dma_wait3A_103] : memref<10112x128xf32, #tpu.memory_space<vmem_shared>> -> memref<10112x128xf32, #tpu.memory_space<vmem_shared>>
        tpu.wait_indirect_dma semaphore(%arg14 : memref<!tpu.dma_semaphore, #tpu.memory_space<semaphore_mem>>) src(%arg9 : memref<125x128xf32, #tpu.memory_space<vmem>>) dst(%dma_wait3A_104 : memref<10112x128xf32, #tpu.memory_space<vmem_shared>>)
      } else {
      }
      %add3A_65 = arith.constant 1 : i32
      %add3A_66 = arith.addi %add3A_50, %add3A_65 : i32
      %dma_start3A_67 = arith.constant 0 : i32
      %dma_start3A_68 = tpu.memref_slice %arg6[%add3A_66, %dma_start3A_67] : memref<40x125xi32, #tpu.memory_space<vmem>> -> memref<1x125xi32, #tpu.memory_space<vmem>>
      %dma_start3A_69 = tpu.memref_squeeze %dma_start3A_68 : memref<1x125xi32, #tpu.memory_space<vmem>> -> memref<125xi32, #tpu.memory_space<vmem>>
      %dma_start3A_70 = arith.constant 0 : i32
      %dma_start3A_71 = arith.constant 0 : i32
      %dma_start3A_72 = tpu.memref_slice %arg2[%dma_start3A_70, %dma_start3A_71] : memref<10000x128xf32, #tpu.memory_space<hbm>> -> memref<10000x128xf32, #tpu.memory_space<hbm>>
      tpu.enqueue_indirect_dma source(%dma_start3A_72 : memref<10000x128xf32, #tpu.memory_space<hbm>>) target(%arg9 : memref<125x128xf32, #tpu.memory_space<vmem>>) offsets(%dma_start3A_69 : memref<125xi32, #tpu.memory_space<vmem>>) semaphore(%arg12 : memref<!tpu.dma_semaphore, #tpu.memory_space<semaphore_mem>>)
      %dma_wait3A_73 = arith.constant 0 : i32
      %dma_wait3A_74 = tpu.memref_slice %arg6[%add3A_50, %dma_wait3A_73] : memref<40x125xi32, #tpu.memory_space<vmem>> -> memref<1x125xi32, #tpu.memory_space<vmem>>
      %dma_wait3A_75 = tpu.memref_squeeze %dma_wait3A_74 : memref<1x125xi32, #tpu.memory_space<vmem>> -> memref<125xi32, #tpu.memory_space<vmem>>
      %dma_wait3A_76 = arith.constant 0 : i32
      %dma_wait3A_77 = arith.constant 0 : i32
      %dma_wait3A_78 = tpu.memref_slice %arg2[%dma_wait3A_76, %dma_wait3A_77] : memref<10000x128xf32, #tpu.memory_space<hbm>> -> memref<10000x128xf32, #tpu.memory_space<hbm>>
      tpu.wait_indirect_dma semaphore(%arg12 : memref<!tpu.dma_semaphore, #tpu.memory_space<semaphore_mem>>) src(%dma_wait3A_78 : memref<10000x128xf32, #tpu.memory_space<hbm>>) dst(%arg9 : memref<125x128xf32, #tpu.memory_space<vmem>>)
      %add3A_79 = arith.constant 1 : i32
      %add3A_80 = arith.addi %add3A_50, %add3A_79 : i32
      %dma_start3A_81 = arith.constant 0 : i32
      %dma_start3A_82 = tpu.memref_slice %arg7[%add3A_80, %dma_start3A_81] : memref<40x125xi32, #tpu.memory_space<vmem>> -> memref<1x125xi32, #tpu.memory_space<vmem>>
      %dma_start3A_83 = tpu.memref_squeeze %dma_start3A_82 : memref<1x125xi32, #tpu.memory_space<vmem>> -> memref<125xi32, #tpu.memory_space<vmem>>
      %dma_start3A_84 = arith.constant 0 : i32
      %dma_start3A_85 = arith.constant 0 : i32
      %dma_start3A_86 = tpu.memref_slice %arg10[%dma_start3A_84, %dma_start3A_85] : memref<10112x128xf32, #tpu.memory_space<vmem_shared>> -> memref<10112x128xf32, #tpu.memory_space<vmem_shared>>
      tpu.enqueue_indirect_dma source(%arg9 : memref<125x128xf32, #tpu.memory_space<vmem>>) target(%dma_start3A_86 : memref<10112x128xf32, #tpu.memory_space<vmem_shared>>) offsets(%dma_start3A_83 : memref<125xi32, #tpu.memory_space<vmem>>) semaphore(%arg14 : memref<!tpu.dma_semaphore, #tpu.memory_space<semaphore_mem>>) {add = true}
      %dma_wait3A_87 = arith.constant 0 : i32
      %dma_wait3A_88 = tpu.memref_slice %arg7[%add3A_50, %dma_wait3A_87] : memref<40x125xi32, #tpu.memory_space<vmem>> -> memref<1x125xi32, #tpu.memory_space<vmem>>
      %dma_wait3A_89 = tpu.memref_squeeze %dma_wait3A_88 : memref<1x125xi32, #tpu.memory_space<vmem>> -> memref<125xi32, #tpu.memory_space<vmem>>
      %dma_wait3A_90 = arith.constant 0 : i32
      %dma_wait3A_91 = arith.constant 0 : i32
      %dma_wait3A_92 = tpu.memref_slice %arg10[%dma_wait3A_90, %dma_wait3A_91] : memref<10112x128xf32, #tpu.memory_space<vmem_shared>> -> memref<10112x128xf32, #tpu.memory_space<vmem_shared>>
      tpu.wait_indirect_dma semaphore(%arg13 : memref<!tpu.dma_semaphore, #tpu.memory_space<semaphore_mem>>) src(%arg8 : memref<125x128xf32, #tpu.memory_space<vmem>>) dst(%dma_wait3A_92 : memref<10112x128xf32, #tpu.memory_space<vmem_shared>>)
      %add3A_93 = arith.constant 2 : i32
      %add3A_94 = arith.addi %add3A_50, %add3A_93 : i32
      %lt3A = arith.constant 40 : i32
      %lt3A_95 = arith.cmpi slt, %add3A_94, %lt3A : i32
      %convert_element_type3A_96 = arith.extui %lt3A_95 : i1 to i32
      %cond3A_97 = arith.constant 0 : i32
      %cond3A_98 = arith.cmpi ne, %convert_element_type3A_96, %cond3A_97 : i32
      scf.if %cond3A_98 {
        %add3A_99 = arith.constant 2 : i32
        %add3A_100 = arith.addi %add3A_50, %add3A_99 : i32
        %dma_start3A_101 = arith.constant 0 : i32
        %dma_start3A_102 = tpu.memref_slice %arg6[%add3A_100, %dma_start3A_101] : memref<40x125xi32, #tpu.memory_space<vmem>> -> memref<1x125xi32, #tpu.memory_space<vmem>>
        %dma_start3A_103 = tpu.memref_squeeze %dma_start3A_102 : memref<1x125xi32, #tpu.memory_space<vmem>> -> memref<125xi32, #tpu.memory_space<vmem>>
        %dma_start3A_104 = arith.constant 0 : i32
        %dma_start3A_105 = arith.constant 0 : i32
        %dma_start3A_106 = tpu.memref_slice %arg2[%dma_start3A_104, %dma_start3A_105] : memref<10000x128xf32, #tpu.memory_space<hbm>> -> memref<10000x128xf32, #tpu.memory_space<hbm>>
        tpu.enqueue_indirect_dma source(%dma_start3A_106 : memref<10000x128xf32, #tpu.memory_space<hbm>>) target(%arg8 : memref<125x128xf32, #tpu.memory_space<vmem>>) offsets(%dma_start3A_103 : memref<125xi32, #tpu.memory_space<vmem>>) semaphore(%arg11 : memref<!tpu.dma_semaphore, #tpu.memory_space<semaphore_mem>>)
      } else {
      }
    }
    %scan3A_13 = arith.constant 20 : i32
    %dma_wait3A = arith.constant 0 : i32
    %dma_wait3A_14 = arith.constant 0 : i32
    %dma_wait3A_15 = tpu.memref_slice %arg7[%dma_wait3A, %dma_wait3A_14] : memref<40x125xi32, #tpu.memory_space<vmem>> -> memref<1x125xi32, #tpu.memory_space<vmem>>
    %dma_wait3A_16 = tpu.memref_squeeze %dma_wait3A_15 : memref<1x125xi32, #tpu.memory_space<vmem>> -> memref<125xi32, #tpu.memory_space<vmem>>
    %dma_wait3A_17 = arith.constant 0 : i32
    %dma_wait3A_18 = arith.constant 0 : i32
    %dma_wait3A_19 = tpu.memref_slice %arg10[%dma_wait3A_17, %dma_wait3A_18] : memref<10112x128xf32, #tpu.memory_space<vmem_shared>> -> memref<10112x128xf32, #tpu.memory_space<vmem_shared>>
    tpu.wait_indirect_dma semaphore(%arg14 : memref<!tpu.dma_semaphore, #tpu.memory_space<semaphore_mem>>) src(%arg9 : memref<125x128xf32, #tpu.memory_space<vmem>>) dst(%dma_wait3A_19 : memref<10112x128xf32, #tpu.memory_space<vmem_shared>>)
    %run_scoped3A_20 = arith.constant 0 : i32
    "tpu.region"() ({
      %run_scoped3A_46 = tpu.sem_alloc : memref<!tpu.dma_semaphore, #tpu.memory_space<semaphore_mem>>
      %dma_start3A_47 = arith.constant 40 : i32
      %dma_start3A_48 = arith.constant 0 : i32
      %dma_start3A_49 = tpu.memref_slice %arg3[%run_scoped3A_20, %add3A, %dma_start3A_47, %dma_start3A_48] : memref<2x32x80x125xi32, #tpu.memory_space<hbm>> -> memref<1x1x40x125xi32, #tpu.memory_space<hbm>>
      %dma_start3A_50 = tpu.memref_squeeze %dma_start3A_49 : memref<1x1x40x125xi32, #tpu.memory_space<hbm>> -> memref<40x125xi32, #tpu.memory_space<hbm>>
      %dma_start3A_51 = arith.constant 40 : i32
      %dma_start3A_52 = arith.constant 0 : i32
      %dma_start3A_53 = tpu.memref_slice %arg3[%run_scoped3A_20, %add3A, %dma_start3A_51, %dma_start3A_52] : memref<2x32x80x125xi32, #tpu.memory_space<hbm>> -> memref<1x1x40x125xi32, #tpu.memory_space<hbm>>
      %dma_start3A_54 = tpu.memref_squeeze %dma_start3A_53 : memref<1x1x40x125xi32, #tpu.memory_space<hbm>> -> memref<40x125xi32, #tpu.memory_space<hbm>>
      tpu.enqueue_dma source(%dma_start3A_54 : memref<40x125xi32, #tpu.memory_space<hbm>>) target(%arg6 : memref<40x125xi32, #tpu.memory_space<vmem>>) target_semaphore(%run_scoped3A_46 : memref<!tpu.dma_semaphore, #tpu.memory_space<semaphore_mem>>)
      %dma_wait3A_55 = arith.constant 40 : i32
      %dma_wait3A_56 = arith.constant 0 : i32
      %dma_wait3A_57 = tpu.memref_slice %arg3[%run_scoped3A_20, %add3A, %dma_wait3A_55, %dma_wait3A_56] : memref<2x32x80x125xi32, #tpu.memory_space<hbm>> -> memref<1x1x40x125xi32, #tpu.memory_space<hbm>>
      %dma_wait3A_58 = tpu.memref_squeeze %dma_wait3A_57 : memref<1x1x40x125xi32, #tpu.memory_space<hbm>> -> memref<40x125xi32, #tpu.memory_space<hbm>>
      %dma_wait3A_59 = arith.constant 40 : i32
      %dma_wait3A_60 = arith.constant 0 : i32
      %dma_wait3A_61 = tpu.memref_slice %arg3[%run_scoped3A_20, %add3A, %dma_wait3A_59, %dma_wait3A_60] : memref<2x32x80x125xi32, #tpu.memory_space<hbm>> -> memref<1x1x40x125xi32, #tpu.memory_space<hbm>>
      %dma_wait3A_62 = tpu.memref_squeeze %dma_wait3A_61 : memref<1x1x40x125xi32, #tpu.memory_space<hbm>> -> memref<40x125xi32, #tpu.memory_space<hbm>>
      tpu.wait_dma2 semaphore(%run_scoped3A_46 : memref<!tpu.dma_semaphore, #tpu.memory_space<semaphore_mem>>) src(%dma_wait3A_62 : memref<40x125xi32, #tpu.memory_space<hbm>>) dst(%arg6 : memref<40x125xi32, #tpu.memory_space<vmem>>)
      tpu.yield
    }) : () -> ()
    %run_scoped3A_21 = arith.constant 1 : i32
    "tpu.region"() ({
      %run_scoped3A_46 = tpu.sem_alloc : memref<!tpu.dma_semaphore, #tpu.memory_space<semaphore_mem>>
      %dma_start3A_47 = arith.constant 40 : i32
      %dma_start3A_48 = arith.constant 0 : i32
      %dma_start3A_49 = tpu.memref_slice %arg3[%run_scoped3A_21, %add3A, %dma_start3A_47, %dma_start3A_48] : memref<2x32x80x125xi32, #tpu.memory_space<hbm>> -> memref<1x1x40x125xi32, #tpu.memory_space<hbm>>
      %dma_start3A_50 = tpu.memref_squeeze %dma_start3A_49 : memref<1x1x40x125xi32, #tpu.memory_space<hbm>> -> memref<40x125xi32, #tpu.memory_space<hbm>>
      %dma_start3A_51 = arith.constant 40 : i32
      %dma_start3A_52 = arith.constant 0 : i32
      %dma_start3A_53 = tpu.memref_slice %arg3[%run_scoped3A_21, %add3A, %dma_start3A_51, %dma_start3A_52] : memref<2x32x80x125xi32, #tpu.memory_space<hbm>> -> memref<1x1x40x125xi32, #tpu.memory_space<hbm>>
      %dma_start3A_54 = tpu.memref_squeeze %dma_start3A_53 : memref<1x1x40x125xi32, #tpu.memory_space<hbm>> -> memref<40x125xi32, #tpu.memory_space<hbm>>
      tpu.enqueue_dma source(%dma_start3A_54 : memref<40x125xi32, #tpu.memory_space<hbm>>) target(%arg7 : memref<40x125xi32, #tpu.memory_space<vmem>>) target_semaphore(%run_scoped3A_46 : memref<!tpu.dma_semaphore, #tpu.memory_space<semaphore_mem>>)
      %dma_wait3A_55 = arith.constant 40 : i32
      %dma_wait3A_56 = arith.constant 0 : i32
      %dma_wait3A_57 = tpu.memref_slice %arg3[%run_scoped3A_21, %add3A, %dma_wait3A_55, %dma_wait3A_56] : memref<2x32x80x125xi32, #tpu.memory_space<hbm>> -> memref<1x1x40x125xi32, #tpu.memory_space<hbm>>
      %dma_wait3A_58 = tpu.memref_squeeze %dma_wait3A_57 : memref<1x1x40x125xi32, #tpu.memory_space<hbm>> -> memref<40x125xi32, #tpu.memory_space<hbm>>
      %dma_wait3A_59 = arith.constant 40 : i32
      %dma_wait3A_60 = arith.constant 0 : i32
      %dma_wait3A_61 = tpu.memref_slice %arg3[%run_scoped3A_21, %add3A, %dma_wait3A_59, %dma_wait3A_60] : memref<2x32x80x125xi32, #tpu.memory_space<hbm>> -> memref<1x1x40x125xi32, #tpu.memory_space<hbm>>
      %dma_wait3A_62 = tpu.memref_squeeze %dma_wait3A_61 : memref<1x1x40x125xi32, #tpu.memory_space<hbm>> -> memref<40x125xi32, #tpu.memory_space<hbm>>
      tpu.wait_dma2 semaphore(%run_scoped3A_46 : memref<!tpu.dma_semaphore, #tpu.memory_space<semaphore_mem>>) src(%dma_wait3A_62 : memref<40x125xi32, #tpu.memory_space<hbm>>) dst(%arg7 : memref<40x125xi32, #tpu.memory_space<vmem>>)
      tpu.yield
    }) : () -> ()
    %dma_start3A_22 = arith.constant 0 : i32
    %dma_start3A_23 = arith.constant 0 : i32
    %dma_start3A_24 = tpu.memref_slice %arg6[%dma_start3A_22, %dma_start3A_23] : memref<40x125xi32, #tpu.memory_space<vmem>> -> memref<1x125xi32, #tpu.memory_space<vmem>>
    %dma_start3A_25 = tpu.memref_squeeze %dma_start3A_24 : memref<1x125xi32, #tpu.memory_space<vmem>> -> memref<125xi32, #tpu.memory_space<vmem>>
    %dma_start3A_26 = arith.constant 0 : i32
    %dma_start3A_27 = arith.constant 0 : i32
    %dma_start3A_28 = tpu.memref_slice %arg2[%dma_start3A_26, %dma_start3A_27] : memref<10000x128xf32, #tpu.memory_space<hbm>> -> memref<10000x128xf32, #tpu.memory_space<hbm>>
    tpu.enqueue_indirect_dma source(%dma_start3A_28 : memref<10000x128xf32, #tpu.memory_space<hbm>>) target(%arg8 : memref<125x128xf32, #tpu.memory_space<vmem>>) offsets(%dma_start3A_25 : memref<125xi32, #tpu.memory_space<vmem>>) semaphore(%arg11 : memref<!tpu.dma_semaphore, #tpu.memory_space<semaphore_mem>>)
    %scan3A_29 = arith.constant 0 : i32
    %scan3A_30 = arith.constant 20 : i32
    %scan3A_31 = arith.addi %scan3A_29, %scan3A_30 : i32
    %scan3A_32 = arith.constant 1 : i32
    scf.for %scan3A_46 = %scan3A_29 to %scan3A_31 step %scan3A_32  : i32 {
      %mul3A_47 = arith.constant 2 : i32
      %mul3A_48 = arith.muli %scan3A_46, %mul3A_47 : i32
      %add3A_49 = arith.constant 0 : i32
      %add3A_50 = arith.addi %add3A_49, %mul3A_48 : i32
      %dma_wait3A_51 = arith.constant 0 : i32
      %dma_wait3A_52 = tpu.memref_slice %arg6[%add3A_50, %dma_wait3A_51] : memref<40x125xi32, #tpu.memory_space<vmem>> -> memref<1x125xi32, #tpu.memory_space<vmem>>
      %dma_wait3A_53 = tpu.memref_squeeze %dma_wait3A_52 : memref<1x125xi32, #tpu.memory_space<vmem>> -> memref<125xi32, #tpu.memory_space<vmem>>
      %dma_wait3A_54 = arith.constant 0 : i32
      %dma_wait3A_55 = arith.constant 0 : i32
      %dma_wait3A_56 = tpu.memref_slice %arg2[%dma_wait3A_54, %dma_wait3A_55] : memref<10000x128xf32, #tpu.memory_space<hbm>> -> memref<10000x128xf32, #tpu.memory_space<hbm>>
      tpu.wait_indirect_dma semaphore(%arg11 : memref<!tpu.dma_semaphore, #tpu.memory_space<semaphore_mem>>) src(%dma_wait3A_56 : memref<10000x128xf32, #tpu.memory_space<hbm>>) dst(%arg8 : memref<125x128xf32, #tpu.memory_space<vmem>>)
      %dma_start3A_57 = arith.constant 0 : i32
      %dma_start3A_58 = tpu.memref_slice %arg7[%add3A_50, %dma_start3A_57] : memref<40x125xi32, #tpu.memory_space<vmem>> -> memref<1x125xi32, #tpu.memory_space<vmem>>
      %dma_start3A_59 = tpu.memref_squeeze %dma_start3A_58 : memref<1x125xi32, #tpu.memory_space<vmem>> -> memref<125xi32, #tpu.memory_space<vmem>>
      %dma_start3A_60 = arith.constant 0 : i32
      %dma_start3A_61 = arith.constant 0 : i32
      %dma_start3A_62 = tpu.memref_slice %arg10[%dma_start3A_60, %dma_start3A_61] : memref<10112x128xf32, #tpu.memory_space<vmem_shared>> -> memref<10112x128xf32, #tpu.memory_space<vmem_shared>>
      tpu.enqueue_indirect_dma source(%arg8 : memref<125x128xf32, #tpu.memory_space<vmem>>) target(%dma_start3A_62 : memref<10112x128xf32, #tpu.memory_space<vmem_shared>>) offsets(%dma_start3A_59 : memref<125xi32, #tpu.memory_space<vmem>>) semaphore(%arg13 : memref<!tpu.dma_semaphore, #tpu.memory_space<semaphore_mem>>) {add = true}
      %gt3A = arith.constant 0 : i32
      %gt3A_63 = arith.cmpi sgt, %add3A_50, %gt3A : i32
      %convert_element_type3A = arith.extui %gt3A_63 : i1 to i32
      %cond3A = arith.constant 0 : i32
      %cond3A_64 = arith.cmpi ne, %convert_element_type3A, %cond3A : i32
      scf.if %cond3A_64 {
        %dma_wait3A_99 = arith.constant 0 : i32
        %dma_wait3A_100 = tpu.memref_slice %arg7[%add3A_50, %dma_wait3A_99] : memref<40x125xi32, #tpu.memory_space<vmem>> -> memref<1x125xi32, #tpu.memory_space<vmem>>
        %dma_wait3A_101 = tpu.memref_squeeze %dma_wait3A_100 : memref<1x125xi32, #tpu.memory_space<vmem>> -> memref<125xi32, #tpu.memory_space<vmem>>
        %dma_wait3A_102 = arith.constant 0 : i32
        %dma_wait3A_103 = arith.constant 0 : i32
        %dma_wait3A_104 = tpu.memref_slice %arg10[%dma_wait3A_102, %dma_wait3A_103] : memref<10112x128xf32, #tpu.memory_space<vmem_shared>> -> memref<10112x128xf32, #tpu.memory_space<vmem_shared>>
        tpu.wait_indirect_dma semaphore(%arg14 : memref<!tpu.dma_semaphore, #tpu.memory_space<semaphore_mem>>) src(%arg9 : memref<125x128xf32, #tpu.memory_space<vmem>>) dst(%dma_wait3A_104 : memref<10112x128xf32, #tpu.memory_space<vmem_shared>>)
      } else {
      }
      %add3A_65 = arith.constant 1 : i32
      %add3A_66 = arith.addi %add3A_50, %add3A_65 : i32
      %dma_start3A_67 = arith.constant 0 : i32
      %dma_start3A_68 = tpu.memref_slice %arg6[%add3A_66, %dma_start3A_67] : memref<40x125xi32, #tpu.memory_space<vmem>> -> memref<1x125xi32, #tpu.memory_space<vmem>>
      %dma_start3A_69 = tpu.memref_squeeze %dma_start3A_68 : memref<1x125xi32, #tpu.memory_space<vmem>> -> memref<125xi32, #tpu.memory_space<vmem>>
      %dma_start3A_70 = arith.constant 0 : i32
      %dma_start3A_71 = arith.constant 0 : i32
      %dma_start3A_72 = tpu.memref_slice %arg2[%dma_start3A_70, %dma_start3A_71] : memref<10000x128xf32, #tpu.memory_space<hbm>> -> memref<10000x128xf32, #tpu.memory_space<hbm>>
      tpu.enqueue_indirect_dma source(%dma_start3A_72 : memref<10000x128xf32, #tpu.memory_space<hbm>>) target(%arg9 : memref<125x128xf32, #tpu.memory_space<vmem>>) offsets(%dma_start3A_69 : memref<125xi32, #tpu.memory_space<vmem>>) semaphore(%arg12 : memref<!tpu.dma_semaphore, #tpu.memory_space<semaphore_mem>>)
      %dma_wait3A_73 = arith.constant 0 : i32
      %dma_wait3A_74 = tpu.memref_slice %arg6[%add3A_50, %dma_wait3A_73] : memref<40x125xi32, #tpu.memory_space<vmem>> -> memref<1x125xi32, #tpu.memory_space<vmem>>
      %dma_wait3A_75 = tpu.memref_squeeze %dma_wait3A_74 : memref<1x125xi32, #tpu.memory_space<vmem>> -> memref<125xi32, #tpu.memory_space<vmem>>
      %dma_wait3A_76 = arith.constant 0 : i32
      %dma_wait3A_77 = arith.constant 0 : i32
      %dma_wait3A_78 = tpu.memref_slice %arg2[%dma_wait3A_76, %dma_wait3A_77] : memref<10000x128xf32, #tpu.memory_space<hbm>> -> memref<10000x128xf32, #tpu.memory_space<hbm>>
      tpu.wait_indirect_dma semaphore(%arg12 : memref<!tpu.dma_semaphore, #tpu.memory_space<semaphore_mem>>) src(%dma_wait3A_78 : memref<10000x128xf32, #tpu.memory_space<hbm>>) dst(%arg9 : memref<125x128xf32, #tpu.memory_space<vmem>>)
      %add3A_79 = arith.constant 1 : i32
      %add3A_80 = arith.addi %add3A_50, %add3A_79 : i32
      %dma_start3A_81 = arith.constant 0 : i32
      %dma_start3A_82 = tpu.memref_slice %arg7[%add3A_80, %dma_start3A_81] : memref<40x125xi32, #tpu.memory_space<vmem>> -> memref<1x125xi32, #tpu.memory_space<vmem>>
      %dma_start3A_83 = tpu.memref_squeeze %dma_start3A_82 : memref<1x125xi32, #tpu.memory_space<vmem>> -> memref<125xi32, #tpu.memory_space<vmem>>
      %dma_start3A_84 = arith.constant 0 : i32
      %dma_start3A_85 = arith.constant 0 : i32
      %dma_start3A_86 = tpu.memref_slice %arg10[%dma_start3A_84, %dma_start3A_85] : memref<10112x128xf32, #tpu.memory_space<vmem_shared>> -> memref<10112x128xf32, #tpu.memory_space<vmem_shared>>
      tpu.enqueue_indirect_dma source(%arg9 : memref<125x128xf32, #tpu.memory_space<vmem>>) target(%dma_start3A_86 : memref<10112x128xf32, #tpu.memory_space<vmem_shared>>) offsets(%dma_start3A_83 : memref<125xi32, #tpu.memory_space<vmem>>) semaphore(%arg14 : memref<!tpu.dma_semaphore, #tpu.memory_space<semaphore_mem>>) {add = true}
      %dma_wait3A_87 = arith.constant 0 : i32
      %dma_wait3A_88 = tpu.memref_slice %arg7[%add3A_50, %dma_wait3A_87] : memref<40x125xi32, #tpu.memory_space<vmem>> -> memref<1x125xi32, #tpu.memory_space<vmem>>
      %dma_wait3A_89 = tpu.memref_squeeze %dma_wait3A_88 : memref<1x125xi32, #tpu.memory_space<vmem>> -> memref<125xi32, #tpu.memory_space<vmem>>
      %dma_wait3A_90 = arith.constant 0 : i32
      %dma_wait3A_91 = arith.constant 0 : i32
      %dma_wait3A_92 = tpu.memref_slice %arg10[%dma_wait3A_90, %dma_wait3A_91] : memref<10112x128xf32, #tpu.memory_space<vmem_shared>> -> memref<10112x128xf32, #tpu.memory_space<vmem_shared>>
      tpu.wait_indirect_dma semaphore(%arg13 : memref<!tpu.dma_semaphore, #tpu.memory_space<semaphore_mem>>) src(%arg8 : memref<125x128xf32, #tpu.memory_space<vmem>>) dst(%dma_wait3A_92 : memref<10112x128xf32, #tpu.memory_space<vmem_shared>>)
      %add3A_93 = arith.constant 2 : i32
      %add3A_94 = arith.addi %add3A_50, %add3A_93 : i32
      %lt3A = arith.constant 40 : i32
      %lt3A_95 = arith.cmpi slt, %add3A_94, %lt3A : i32
      %convert_element_type3A_96 = arith.extui %lt3A_95 : i1 to i32
      %cond3A_97 = arith.constant 0 : i32
      %cond3A_98 = arith.cmpi ne, %convert_element_type3A_96, %cond3A_97 : i32
      scf.if %cond3A_98 {
        %add3A_99 = arith.constant 2 : i32
        %add3A_100 = arith.addi %add3A_50, %add3A_99 : i32
        %dma_start3A_101 = arith.constant 0 : i32
        %dma_start3A_102 = tpu.memref_slice %arg6[%add3A_100, %dma_start3A_101] : memref<40x125xi32, #tpu.memory_space<vmem>> -> memref<1x125xi32, #tpu.memory_space<vmem>>
        %dma_start3A_103 = tpu.memref_squeeze %dma_start3A_102 : memref<1x125xi32, #tpu.memory_space<vmem>> -> memref<125xi32, #tpu.memory_space<vmem>>
        %dma_start3A_104 = arith.constant 0 : i32
        %dma_start3A_105 = arith.constant 0 : i32
        %dma_start3A_106 = tpu.memref_slice %arg2[%dma_start3A_104, %dma_start3A_105] : memref<10000x128xf32, #tpu.memory_space<hbm>> -> memref<10000x128xf32, #tpu.memory_space<hbm>>
        tpu.enqueue_indirect_dma source(%dma_start3A_106 : memref<10000x128xf32, #tpu.memory_space<hbm>>) target(%arg8 : memref<125x128xf32, #tpu.memory_space<vmem>>) offsets(%dma_start3A_103 : memref<125xi32, #tpu.memory_space<vmem>>) semaphore(%arg11 : memref<!tpu.dma_semaphore, #tpu.memory_space<semaphore_mem>>)
      } else {
      }
    }
    %scan3A_33 = arith.constant 20 : i32
    %dma_wait3A_34 = arith.constant 0 : i32
    %dma_wait3A_35 = arith.constant 0 : i32
    %dma_wait3A_36 = tpu.memref_slice %arg7[%dma_wait3A_34, %dma_wait3A_35] : memref<40x125xi32, #tpu.memory_space<vmem>> -> memref<1x125xi32, #tpu.memory_space<vmem>>
    %dma_wait3A_37 = tpu.memref_squeeze %dma_wait3A_36 : memref<1x125xi32, #tpu.memory_space<vmem>> -> memref<125xi32, #tpu.memory_space<vmem>>
    %dma_wait3A_38 = arith.constant 0 : i32
    %dma_wait3A_39 = arith.constant 0 : i32
    %dma_wait3A_40 = tpu.memref_slice %arg10[%dma_wait3A_38, %dma_wait3A_39] : memref<10112x128xf32, #tpu.memory_space<vmem_shared>> -> memref<10112x128xf32, #tpu.memory_space<vmem_shared>>
    tpu.wait_indirect_dma semaphore(%arg14 : memref<!tpu.dma_semaphore, #tpu.memory_space<semaphore_mem>>) src(%arg9 : memref<125x128xf32, #tpu.memory_space<vmem>>) dst(%dma_wait3A_40 : memref<10112x128xf32, #tpu.memory_space<vmem_shared>>)
    %barrier3A_41 = arith.constant 0 : index
    tpu.barrier barrier_id(%barrier3A_41)
    %mul3A_42 = arith.constant 632 : i32
    %mul3A_43 = arith.muli %arg1, %mul3A_42 : i32
    %mul3A_44 = arith.constant 632 : i32
    %mul3A_45 = arith.muli %arg1, %mul3A_44 : i32
    "tpu.region"() ({
      %run_scoped3A_46 = tpu.sem_alloc : memref<!tpu.dma_semaphore, #tpu.memory_space<semaphore_mem>>
      %dma_start3A_47 = arith.constant 0 : i32
      %dma_start3A_48 = tpu.memref_slice %arg5[%arg0, %mul3A_45, %dma_start3A_47] : memref<2x10112x128xf32, #tpu.memory_space<hbm>> -> memref<1x632x128xf32, #tpu.memory_space<hbm>>
      %dma_start3A_49 = tpu.memref_squeeze %dma_start3A_48 : memref<1x632x128xf32, #tpu.memory_space<hbm>> -> memref<632x128xf32, #tpu.memory_space<hbm>>
      %dma_start3A_50 = arith.constant 0 : i32
      %dma_start3A_51 = tpu.memref_slice %arg10[%mul3A_43, %dma_start3A_50] : memref<10112x128xf32, #tpu.memory_space<vmem_shared>> -> memref<632x128xf32, #tpu.memory_space<vmem_shared>>
      tpu.enqueue_dma source(%dma_start3A_51 : memref<632x128xf32, #tpu.memory_space<vmem_shared>>) target(%dma_start3A_49 : memref<632x128xf32, #tpu.memory_space<hbm>>) target_semaphore(%run_scoped3A_46 : memref<!tpu.dma_semaphore, #tpu.memory_space<semaphore_mem>>)
      %dma_wait3A_52 = arith.constant 0 : i32
      %dma_wait3A_53 = tpu.memref_slice %arg5[%arg0, %mul3A_45, %dma_wait3A_52] : memref<2x10112x128xf32, #tpu.memory_space<hbm>> -> memref<1x632x128xf32, #tpu.memory_space<hbm>>
      %dma_wait3A_54 = tpu.memref_squeeze %dma_wait3A_53 : memref<1x632x128xf32, #tpu.memory_space<hbm>> -> memref<632x128xf32, #tpu.memory_space<hbm>>
      %dma_wait3A_55 = arith.constant 0 : i32
      %dma_wait3A_56 = tpu.memref_slice %arg10[%mul3A_43, %dma_wait3A_55] : memref<10112x128xf32, #tpu.memory_space<vmem_shared>> -> memref<632x128xf32, #tpu.memory_space<vmem_shared>>
      tpu.wait_dma2 semaphore(%run_scoped3A_46 : memref<!tpu.dma_semaphore, #tpu.memory_space<semaphore_mem>>) src(%dma_wait3A_56 : memref<632x128xf32, #tpu.memory_space<vmem_shared>>) dst(%dma_wait3A_54 : memref<632x128xf32, #tpu.memory_space<hbm>>)
      tpu.yield
    }) : () -> ()
    return
  }
}

module attributes {stable_mosaic.version = 14 : i64} {
  func.func @_mlp_body(%arg0: i32, %arg1: memref<1x1xf32, #tpu.memory_space<smem>>, %arg2: memref<2000x128xf32, #tpu.memory_space<vmem>>, %arg3: memref<1x2000x128xf32, #tpu.memory_space<vmem>>, %arg4: memref<1x2000x128xf32, #tpu.memory_space<vmem>>, %arg5: memref<128x128xf32, #tpu.memory_space<vmem>>, %arg6: memref<1x128xf32, #tpu.memory_space<vmem>>, %arg7: memref<128x128xf32, #tpu.memory_space<vmem>>, %arg8: memref<1x128xf32, #tpu.memory_space<vmem>>, %arg9: memref<2000x128xf32, #tpu.memory_space<vmem>>) attributes {dimension_semantics = [#tpu.dimension_semantics<arbitrary>], iteration_bounds = array<i64: 5>, scalar_prefetch = 0 : i64, scratch_operands = 0 : i64, tpu.core_type = #tpu.core_type<tc>, window_params = [{transform_indices = @transform_0, window_bounds = array<i64: 1, 1>}, {transform_indices = @transform_1, window_bounds = array<i64: 2000, 128>}, {transform_indices = @transform_2, window_bounds = array<i64: 1, 2000, 128>}, {transform_indices = @transform_3, window_bounds = array<i64: 1, 2000, 128>}, {pipeline_mode = #tpu.pipeline_mode<synchronous>, transform_indices = @transform_4, window_bounds = array<i64: 128, 128>}, {pipeline_mode = #tpu.pipeline_mode<synchronous>, transform_indices = @transform_5, window_bounds = array<i64: 1, 128>}, {pipeline_mode = #tpu.pipeline_mode<synchronous>, transform_indices = @transform_6, window_bounds = array<i64: 128, 128>}, {pipeline_mode = #tpu.pipeline_mode<synchronous>, transform_indices = @transform_7, window_bounds = array<i64: 1, 128>}, {transform_indices = @transform_8, window_bounds = array<i64: 2000, 128>}]} {
    %get3A = arith.constant 0 : index
    %get3A_0 = arith.constant 0 : index
    %get3A_1 = memref.load %arg1[%get3A, %get3A_0] : memref<1x1xf32, #tpu.memory_space<smem>>
    %add3A = arith.constant 1.000000e+00 : f32
    %add3A_2 = arith.addf %add3A, %get3A_1 : f32
    %get3A_3 = arith.constant 0 : index
    %get3A_4 = arith.constant 0 : index
    %get3A_5 = vector.load %arg2[%get3A_3, %get3A_4] : memref<2000x128xf32, #tpu.memory_space<vmem>>, vector<2000x128xf32>
    %mul3A = vector.broadcast %add3A_2 : f32 to vector<2000x128xf32>
    %mul3A_6 = arith.mulf %mul3A, %get3A_5 : vector<2000x128xf32>
    %get3A_7 = arith.constant 0 : index
    %get3A_8 = arith.constant 0 : index
    %get3A_9 = arith.constant 0 : index
    %get3A_10 = vector.load %arg3[%get3A_7, %get3A_8, %get3A_9] : memref<1x2000x128xf32, #tpu.memory_space<vmem>>, vector<1x2000x128xf32>
    %get3A_11 = vector.shape_cast %get3A_10 : vector<1x2000x128xf32> to vector<2000x128xf32>
    %add3A_12 = arith.addf %mul3A_6, %get3A_11 : vector<2000x128xf32>
    %get3A_13 = arith.constant 0 : index
    %get3A_14 = arith.constant 0 : index
    %get3A_15 = arith.constant 0 : index
    %get3A_16 = vector.load %arg4[%get3A_13, %get3A_14, %get3A_15] : memref<1x2000x128xf32, #tpu.memory_space<vmem>>, vector<1x2000x128xf32>
    %get3A_17 = vector.shape_cast %get3A_16 : vector<1x2000x128xf32> to vector<2000x128xf32>
    %add3A_18 = arith.addf %add3A_12, %get3A_17 : vector<2000x128xf32>
    %get3A_19 = arith.constant 0 : index
    %get3A_20 = arith.constant 0 : index
    %get3A_21 = vector.load %arg5[%get3A_19, %get3A_20] : memref<128x128xf32, #tpu.memory_space<vmem>>, vector<128x128xf32>
    %dot_general3A = arith.constant dense<0.000000e+00> : vector<2000x128xf32>
    %dot_general3A_22 = tpu.matmul %add3A_18, %get3A_21, %dot_general3A {dimension_numbers = #tpu.dot_dimension_numbers<[1], [0], [0], [1], [0, 0, 1, 1], [], []>, transpose_lhs_hint = false} : vector<2000x128xf32>, vector<128x128xf32>, vector<2000x128xf32> -> vector<2000x128xf32>
    %get3A_23 = arith.constant 0 : index
    %get3A_24 = arith.constant 0 : index
    %get3A_25 = vector.load %arg6[%get3A_23, %get3A_24] : memref<1x128xf32, #tpu.memory_space<vmem>>, vector<1x128xf32>
    %add3A_26 = vector.broadcast %get3A_25 : vector<1x128xf32> to vector<2000x128xf32>
    %add3A_27 = arith.addf %dot_general3A_22, %add3A_26 : vector<2000x128xf32>
    %max3A = arith.constant 0.000000e+00 : f32
    %max3A_28 = vector.broadcast %max3A : f32 to vector<2000x128xf32>
    %max3A_29 = arith.maximumf %add3A_27, %max3A_28 : vector<2000x128xf32>
    %get3A_30 = arith.constant 0 : index
    %get3A_31 = arith.constant 0 : index
    %get3A_32 = vector.load %arg7[%get3A_30, %get3A_31] : memref<128x128xf32, #tpu.memory_space<vmem>>, vector<128x128xf32>
    %dot_general3A_33 = arith.constant dense<0.000000e+00> : vector<2000x128xf32>
    %dot_general3A_34 = tpu.matmul %max3A_29, %get3A_32, %dot_general3A_33 {dimension_numbers = #tpu.dot_dimension_numbers<[1], [0], [0], [1], [0, 0, 1, 1], [], []>, transpose_lhs_hint = false} : vector<2000x128xf32>, vector<128x128xf32>, vector<2000x128xf32> -> vector<2000x128xf32>
    %get3A_35 = arith.constant 0 : index
    %get3A_36 = arith.constant 0 : index
    %get3A_37 = vector.load %arg8[%get3A_35, %get3A_36] : memref<1x128xf32, #tpu.memory_space<vmem>>, vector<1x128xf32>
    %add3A_38 = vector.broadcast %get3A_37 : vector<1x128xf32> to vector<2000x128xf32>
    %add3A_39 = arith.addf %dot_general3A_34, %add3A_38 : vector<2000x128xf32>
    %max3A_40 = arith.constant 0.000000e+00 : f32
    %max3A_41 = vector.broadcast %max3A_40 : f32 to vector<2000x128xf32>
    %max3A_42 = arith.maximumf %add3A_39, %max3A_41 : vector<2000x128xf32>
    %swap3A = arith.constant 0 : index
    %swap3A_43 = arith.constant 0 : index
    %swap3A_44 = vector.load %arg9[%swap3A, %swap3A_43] : memref<2000x128xf32, #tpu.memory_space<vmem>>, vector<2000x128xf32>
    tpu.vector_store %arg9[%swap3A, %swap3A_43], %max3A_42 {strides = array<i32>} : memref<2000x128xf32, #tpu.memory_space<vmem>>, vector<2000x128xf32>,
    return
  }
  func.func @transform_0(%arg0: i32) -> (i32, i32) {
    %c0_i32 = arith.constant 0 : i32
    %c0_i32_0 = arith.constant 0 : i32
    %c0_i32_1 = arith.constant 0 : i32
    return %c0_i32, %c0_i32_0 : i32, i32
  }
  func.func @transform_1(%arg0: i32) -> (i32, i32) {
    %c0_i32 = arith.constant 0 : i32
    %c0_i32_0 = arith.constant 0 : i32
    return %arg0, %c0_i32 : i32, i32
  }
  func.func @transform_2(%arg0: i32) -> (i32, i32, i32) {
    %c0_i32 = arith.constant 0 : i32
    %c0_i32_0 = arith.constant 0 : i32
    %c0_i32_1 = arith.constant 0 : i32
    return %c0_i32, %arg0, %c0_i32_0 : i32, i32, i32
  }
  func.func @transform_3(%arg0: i32) -> (i32, i32, i32) {
    %c1_i32 = arith.constant 1 : i32
    %c0_i32 = arith.constant 0 : i32
    %c0_i32_0 = arith.constant 0 : i32
    return %c1_i32, %arg0, %c0_i32 : i32, i32, i32
  }
  func.func @transform_4(%arg0: i32) -> (i32, i32) {
    %c0_i32 = arith.constant 0 : i32
    %c0_i32_0 = arith.constant 0 : i32
    %c0_i32_1 = arith.constant 0 : i32
    return %c0_i32, %c0_i32_0 : i32, i32
  }
  func.func @transform_5(%arg0: i32) -> (i32, i32) {
    %c0_i32 = arith.constant 0 : i32
    %c0_i32_0 = arith.constant 0 : i32
    %c0_i32_1 = arith.constant 0 : i32
    return %c0_i32, %c0_i32_0 : i32, i32
  }
  func.func @transform_6(%arg0: i32) -> (i32, i32) {
    %c0_i32 = arith.constant 0 : i32
    %c0_i32_0 = arith.constant 0 : i32
    %c0_i32_1 = arith.constant 0 : i32
    return %c0_i32, %c0_i32_0 : i32, i32
  }
  func.func @transform_7(%arg0: i32) -> (i32, i32) {
    %c0_i32 = arith.constant 0 : i32
    %c0_i32_0 = arith.constant 0 : i32
    %c0_i32_1 = arith.constant 0 : i32
    return %c0_i32, %c0_i32_0 : i32, i32
  }
  func.func @transform_8(%arg0: i32) -> (i32, i32) {
    %c0_i32 = arith.constant 0 : i32
    %c0_i32_0 = arith.constant 0 : i32
    return %arg0, %c0_i32 : i32, i32
  }
}

</mosaic_0001>

<sc_bundles>
// kernel: kernel.4.cloned.1.call-start
scs
__scs_entry_jumppad:
0x0: {  	(pc) =	sbr.rel $0x88, $3  }
0x1: {  	(tag) =	ssettag $0x0;
	lr =	simm.s32 $0x1  }
0x2: {  	[smem:$0x3F99] =	sst lr;
	_ =	strace $0xD0000000  }
0x3: {  	_ = 	snop  }
0x4: {  	_ = 	snop  }
0x5: {  	_ = 	snop  }
0x6: {  	_ = 	snop  }
0x7: {  	_ = 	snop  }
__scs_overlays_trampoline_lowered:
0x8: {  	[smem:$0x3FA8] =	sst s0  }
0x9: {  	[smem:$0x3FA9] =	sst s1  }
0xa: {  	[smem:$0x3FAA] =	sst s2  }
0xb: {  	[smem:$0x3FAB] =	sst s3  }
0xc: {  	[smem:$0x3FAC] =	sst s4  }
0xd: {  	[smem:$0x3FAD] =	sst s5  }
0xe: {  	[smem:$0x3FAE] =	sst s6  }
0xf: {  	[smem:$0x3FAF] =	sst s7  }
0x10: {  	[smem:$0x3FB0] =	sst s8  }
0x11: {  	[smem:$0x3FB1] =	sst s9;
	s0 =	simm.s32 @!p0 $0x0  }
0x12: {  	s1 =	sld [smem:$0x3F97];
	s0 =	simm.s32 @p0 $0x1  }
0x13: {  	[smem:$0x3FB2] =	sst s0;
	s0 =	simm.s32 @!p1 $0x0  }
0x14: {  	s2 =	sld [smem:$0x3F96];
	s0 =	simm.s32 @p1 $0x1  }
0x15: {  	[smem:$0x3FB3] =	sst s0;
	s0 =	simm.s32 @!p2 $0x0  }
0x16: {  	s3 =	sld [smem:$0x3FDB];
	s0 =	simm.s32 @p2 $0x1  }
0x17: {  	s4 =	simm.s32 $0x1BF5;
	[smem:$0x3FB5] =	sst s0  }
0x18: {  	s0 =	sld [smem:$0x3F98];
	_ =	swait.ge [sflag:s4], $0x0  }
0x19: {  	s7 =	sld [smem:$0x3F99]  }
0x1a: {  	s8 =	sadd.s32 $0xFFFFE003, lr  }
0x1b: {  	s9 =	sadd.s32 $0xFFFFFEF7, lr;
	s5 =	simm.s32 $0xFFFFFFFF;
	p2 =	slt.u32 s8, $0xFFFFF086  }
0x1c: {  	p1 =	slt.u32 s9, $0xF7A;
	s5 =	simm.s32 @!p2 $0x0  }
0x1d: {  	s5 =	simm.s32 @p1 $0x1;
	p0 =	seq.s32 s7, s2  }
0x1e: {  	s7 =	smul.u32 @!p0 $0xF7A, s2;
	p2 =	seq.s32 @!p0 s5, $0x0  }
0x1f: {  	s9 =	smul.u32 $0xF7A, s1;
	s8 =	simm.s32 @!p0 $0x1BF5;
	p2 =	por !p2, p0  }
0x20: {  	[sflag:s8] =	ssyncset.s32 @!p0 $0xFFFFF086;
	s6 =	sadd.s32 @!p0 s3, s7;
	s7 =	simm.s32 @!p0 $0x108  }
0x21: {  	s3 =	sadd.s32 s3, s9;
	s6 =	sadd.s32 @!p0 $0x88, s6;
	s7 =	simm.s32 @p2 $0x1082  }
0x22: {  	[simem:s7], [sflag:s8] =	dma.local @!p0 [hbm:s6], $0xF7A  }
0x23: {  	s9 =	sor.u32 $0xD0000000, s2;
	s6 =	simm.s32 $0x108;
	_ =	swait.ge @!p0 [sflag:s8], $0x0  }
0x24: {  	s3 =	sadd.s32 $0x88, s3;
	s6 =	simm.s32 @!p1 $0x1082;
	[sflag:s4] =	ssyncset.s32 $0xFFFFF086  }
0x25: {  	[simem:s6], [sflag:s4] =	dma.local [hbm:s3], $0xF7A  }
0x26: {  	[smem:$0x3F99] =	sst s1;
	(tag) =	ssettag s2;
	_ =	strace s9  }
0x27: {  	s1 =	sld [smem:$0x3FA9]  }
0x28: {  	s2 =	sld [smem:$0x3FAA]  }
0x29: {  	s4 =	sld [smem:$0x3FAC]  }
0x2a: {  	p0 =	seq.s32 s5, $0x0;
	s5 =	sld [smem:$0x3FAD]  }
0x2b: {  	s6 =	sld [smem:$0x3FAE]  }
0x2c: {  	s7 =	sld [smem:$0x3FAF]  }
0x2d: {  	s3 =	simm.s32 $0x108;
	s8 =	sld [smem:$0x3FB0]  }
0x2e: {  	s3 =	simm.s32 @!p0 $0x1082;
	s9 =	sld [smem:$0x3FB1]  }
0x2f: {  	lr =	sadd.s32 s0, s3;
	s0 =	sld [smem:$0x3FA8]  }
0x30: {  	s3 =	sld [smem:$0x3FAB]  }
0x31: {  	[smem:$0x3FB4] =	sst s10  }
0x32: {  	s10 =	sld [smem:$0x3FB2];
	_ =	sdelay $0x3  }
0x33: {  	p0 =	seq.s32 s10, $0x1;
	s10 =	sld [smem:$0x3FB4];
	_ =	sdelay $0x3  }
0x34: {  	[smem:$0x3FB4] =	sst s10  }
0x35: {  	s10 =	sld [smem:$0x3FB3];
	_ =	sdelay $0x3  }
0x36: {  	p1 =	seq.s32 s10, $0x1;
	s10 =	sld [smem:$0x3FB4];
	_ =	sdelay $0x3  }
0x37: {  	[smem:$0x3FB4] =	sst s10  }
0x38: {  	s10 =	sld [smem:$0x3FB5]  }
0x39: {  	_ = 	snop;
	(pc) =	sbr.ind lr, $3  }
0x3a: {  	_ = 	snop  }
0x3b: {  	_ = 	snop  }
0x3c: {  	p2 =	seq.s32 s10, $0x1;
	s10 =	sld [smem:$0x3FB4]  }
0x3d: {  	_ =	shalt  }
0x3e: {  	_ =	shalt  }
0x3f: {  	_ =	shalt  }
0x40: {  	_ =	shalt  }
0x41: {  	_ =	shalt  }
0x42: {  	_ =	shalt  }
0x43: {  	_ =	shalt  }
0x44: {  	_ =	shalt  }
0x45: {  	_ =	shalt  }
0x46: {  	_ =	shalt  }
0x47: {  	_ =	shalt  }
0x48: {  	_ =	shalt  }
0x49: {  	_ =	shalt  }
0x4a: {  	_ =	shalt  }
0x4b: {  	_ =	shalt  }
0x4c: {  	_ =	shalt  }
0x4d: {  	_ =	shalt  }
0x4e: {  	_ =	shalt  }
0x4f: {  	_ =	shalt  }
0x50: {  	_ =	shalt  }
0x51: {  	_ =	shalt  }
0x52: {  	_ =	shalt  }
0x53: {  	_ =	shalt  }
0x54: {  	_ =	shalt  }
0x55: {  	_ =	shalt  }
0x56: {  	_ =	shalt  }
0x57: {  	_ =	shalt  }
0x58: {  	_ =	shalt  }
0x59: {  	_ =	shalt  }
0x5a: {  	_ =	shalt  }
0x5b: {  	_ =	shalt  }
0x5c: {  	_ =	shalt  }
0x5d: {  	_ =	shalt  }
0x5e: {  	_ =	shalt  }
0x5f: {  	_ =	shalt  }
0x60: {  	_ =	shalt  }
0x61: {  	_ =	shalt  }
0x62: {  	_ =	shalt  }
0x63: {  	_ =	shalt  }
0x64: {  	_ =	shalt  }
0x65: {  	_ =	shalt  }
0x66: {  	_ =	shalt  }
0x67: {  	_ =	shalt  }
0x68: {  	_ =	shalt  }
0x69: {  	_ =	shalt  }
0x6a: {  	_ =	shalt  }
0x6b: {  	_ =	shalt  }
0x6c: {  	_ =	shalt  }
0x6d: {  	_ =	shalt  }
0x6e: {  	_ =	shalt  }
0x6f: {  	_ =	shalt  }
0x70: {  	_ =	shalt  }
0x71: {  	_ =	shalt  }
0x72: {  	_ =	shalt  }
0x73: {  	_ =	shalt  }
0x74: {  	_ =	shalt  }
0x75: {  	_ =	shalt  }
0x76: {  	_ =	shalt  }
0x77: {  	_ =	shalt  }
0x78: {  	_ =	shalt  }
0x79: {  	_ =	shalt  }
0x7a: {  	_ =	shalt  }
0x7b: {  	_ =	shalt  }
0x7c: {  	_ =	shalt  }
0x7d: {  	_ =	shalt  }
0x7e: {  	_ =	shalt  }
0x7f: {  	_ =	shalt  }
0x80: {  	_ =	shalt  }
0x81: {  	_ =	shalt  }
0x82: {  	_ =	shalt  }
0x83: {  	_ =	shalt  }
0x84: {  	_ =	shalt  }
0x85: {  	_ =	shalt  }
0x86: {  	_ =	shalt  }
0x87: {  	_ =	shalt  }
.Lfunc_end0:
.L_simem_size_0:
called_computation_lowered:
.L_overlay_start_0:
0x88: {  	s2 =	sld [smem:$0x3FD9]  }
0x89: {  	s3 =	sld [smem:$0x3FFE];
	_ =	sdelay $0x1  }
0x8a: {  	s1 =	srdreg.scid  }
0x8b: {  	s0 =	sand.u32 $0x1, s1  }
0x8c: {  	s17 =	sshll.u32 s0, $0xA;
	s2 =	sadd.s32 s3, s2  }
0x8d: {  	s2 =	sadd.s32 s2, s17  }
0x8e: {  	[smem:$0x3FC0] =	sst s2  }
0x8f: {  	_ = 	snop  }
0x90: {  	s2 =	sld [smem:$0x3FC9]  }
0x91: {  	s18 =	sld [smem:$0x3FD0];
	(tm) =	ssettm $0x1  }
0x92: {  	s4 =	sld [smem:$0x3FFB];
	_ =	sdelay $0x3  }
0x93: {  	_ =	strace s4  }
0x94: {  	s4 =	sld [smem:$0x3FFC];
	_ =	sdelay $0x3  }
0x95: {  	_ =	strace s4  }
0x96: {  	s4 =	sld [smem:$0x3FFD];
	_ =	sdelay $0x3  }
0x97: {  	_ =	strace s4  }
0x98: {  	_ =	strace $0x8FFFFFFF  }
0x99: {  	s19 =	sld [smem:$0x3FDB];
	_ =	sdelay $0x1  }
0x9a: {  	s5 =	simm.s32 $_scs_section_size  }
0x9b: {  	s6 =	simm.s32 $_size__tile_overlayer_lowered;
	s7 =	simm.s32 $_tile_overlayer_lowered  }
0x9c: {  	s22 =	simm.s32 $0x1BFF;
	s21 =	sshll.u32 s7, $0x1;
	s4 =	sadd.s32 s5, s19  }
0x9d: {  	s8 =	simm.s32 $0x0;
	s20 =	sshll.u32 s6, $0x1;
	s6 =	sadd.s32 s21, s4  }
0x9e: {  	[timem:s8], [sflag:s22] =	dma.local [hbm:s6], s20  }
0x9f: {  	_ =	swait.ge [sflag:s22], s20  }
0xa0: {  	s5 =	ssub.s32 $0x0, s20;
	[sflag:s22] =	ssyncset.done $0x0  }
0xa1: {  	[sflag:s22] =	ssyncadd.s32 s5;
	_ =	sdelay $0x1  }
0xa2: {  	s23 =	simm.s32 $0x1B8B  }
0xa3: {  	_ =	swait.ge [sflag:s23], $0x1  }
0xa4: {  	[sflag:s23] =	ssyncset.done $0x0  }
0xa5: {  	s25 =	simm.s32 $0x1B8E;
	s24 =	sld [smem:$0x3FFE];
	[sflag:s23] =	ssyncadd.s32 $0xFFFFFFFF  }
0xa6: {  	s26 =	simm.s32 $execute0_lowered;
	[smem:$0x3FD2] =	sst s25  }
0xa7: {  	s6 =	sshll.u32 s26, $0x1;
	_ =	strace $0x80000046;
	[dreg:$0x1] =	wrdreg $0xFFFFFFFF  }
0xa8: {  	s28 =	simm.s32 $_size_execute0_lowered;
	s4 =	sadd.s32 s4, s6;
	[dreg:$0x0] =	wrdreg $0x0  }
0xa9: {  	s6 =	sshll.u32 s28, $0x1;
	[dreg:$0x2] =	wrdreg s4  }
0xaa: {  	[dreg:$0x3] =	wrdreg s6  }
0xab: {  	[dreg:$0x4] =	wrdreg $0xC0  }
0xac: {  	_ =	task [dreg:s8], $0x5FFFF  }
0xad: {  	[dreg:$0x1] =	wrdreg $0xFFFFFFFF  }
0xae: {  	[dreg:$0x0] =	wrdreg $0x60  }
0xaf: {  	[dreg:$0x2] =	wrdreg s2  }
0xb0: {  	[dreg:$0x3] =	wrdreg s18  }
0xb1: {  	[dreg:$0x4] =	wrdreg s24  }
0xb2: {  	[dreg:$0x5] =	wrdreg $0xA8000  }
0xb3: {  	[dreg:$0x6] =	wrdreg $0x9  }
0xb4: {  	_ =	task.clear_ibuf [dreg:s8], $0x7FFFF;
	_ =	strace $0x90000046  }
0xb5: {  	s29 =	simm.s32 $0x9;
	_ =	strace $0x80000048  }
0xb6: {  	_ =	swait.ge [sflag:s29], $0x1  }
0xb7: {  	[sflag:s29] =	ssyncadd.s32 $0xFFFFFFFF  }
0xb8: {  	_ =	strace $0x90000048  }
0xb9: {  	_ =	sfence  }
0xba: {  	s30 =	sld [smem:$0x0];
	_ =	sdelay $0x2  }
0xbb: {  	s31 =	sshll.u32 s1, $0xD;
	s1 =	sshrl.u32 s1, $0x2  }
0xbc: {  	s3 =	sand.u32 $0x4000, s31;
	s1 =	sadd.s32 s1, s30  }
0xbd: {  	s0 =	sor.u32 s3, s0;
	s1 =	sshll.u32 s1, $0x11  }
0xbe: {  	s0 =	sor.u32 s1, s0  }
0xbf: {  	s0 =	sadd.s32 $0x8F2B, s0  }
0xc0: {  	[sflag:s0] =	ssyncadd.remote.s32 $0x1  }
0xc1: {  	_ =	sfence.sel $0xFFFF  }
0xc2: {  	[dreg:$0x0] =	wrdreg $0xFFFFFFFF;
	(pc) =	sbr.abs _section_cstart, $3  }
0xc3: {  	[dreg:$0x1] =	wrdreg $0xFFFFFFFF  }
0xc4: {  	_ =	task.clear_ibuf [dreg:s8], $0x2FFFF;
	_ =	strace $0x9FFFFFFF  }
0xc5: {  	(tm) =	ssettm $0x7FFFFFFF  }
tec
execute0_lowered:
.L_overlay_start_1:
0x0: {  	(tag) =	ssettag $0x1  }
0x1: {  	s1 =	rddreg [dreg:$0x0]  }
0x2: {  	s6 =	rddreg [dreg:$0x1]  }
0x3: {  	s7 =	rddreg [dreg:$0x2]  }
0x4: {  	s2 =	rddreg [dreg:$0x3];
	s3 =	srdreg.scid  }
0x5: {  	s0 =	rddreg [dreg:$0x4];
	s4 =	simm.s32 $0x0;
	s16 =	simm.s32 $0x7D  }
0x6: {  	s17 =	simm.s32 $0x2800;
	s18 =	simm.s32 $0x1;
	s19 =	simm.s32 $0x80  }
0x7: {  	s20 =	simm.s32 $0x6800;
	s21 =	simm.s32 $0x2;
	s22 =	simm.s32 $0x1480  }
0x8: {  	s23 =	simm.s32 $0x3;
	s24 =	simm.s32 $0x100;
	s8 =	sand.u32 $0x1, s3  }
0x9: {  	s25 =	simm.s32 $0x4;
	s3 =	stileid.u32;
	s9 =	smul.u32 $0x13C000, s8  }
0xa: {  	[smem:$0x7FF] =	sst s4;
	s5 =	sadd.s32 $0x1600, s7;
	s10 =	smul.u32 $0x13C00, s3  }
0xb: {  	s11 =	sshll.u32 s3, $0x1;
	_ =	strace $0x80000047;
	s12 =	smul.u32 $0x4F000, s3  }
0xc: {  	s31 =	sshll.u32 s3, $0x6;
	s11 =	sor.u32 s8, s11;
	s8 =	ssub.s32 $0x2, s8  }
0xd: {  	s9 =	sadd.s32 s10, s9;
	s26 =	smul.u32 $0x2800, s11;
	s28 =	sshrl.u32 s8, $0x1  }
0xe: {  	s30 =	sshrl.u32 s12, $0x2;
	s9 =	sshrl.u32 s9, $0x3;
	s14 =	ssub.s32 s8, s28  }
.Ltmp0:
0xf: {  	s15 =	sadd.s32 s30, s2;
	s13 =	sadd.s32 s9, s7;
	(pc) =	sbr.rel .LBB2_1-.Ltmp0, $4  }
0x10: {  	s29 =	sshrl.u32 s26, $0x3;
	s7 =	sor.u32 $0x1C05, s31;
	s12 =	smax.u32 s14, $0x1  }
0x11: {  	s14 =	simm.s32 $0x5;
	s26 =	simm.s32 $0x0;
	s6 =	sadd.s32 s6, s29  }
0x12: {  	s11 =	sadd.s32 $0x3E00, s13;
	s13 =	sshrl.u32 s15, $0x3;
	s15 =	simm.s32 $0x1400  }
0x13: {  	s8 =	sadd.s32 $0xA000, s6;
	s9 =	sadd.s32 $0x280, s6;
	s10 =	sadd.s32 $0xA280, s6  }
.LBB2_7:
0x14: {  	_ =	swait.ge [sflag:s25], $0x3E80  }
0x15: {  	s26 =	sadd.s32 $0x1, s26;
	[sflag:s25] =	ssyncset.done $0x0  }
0x16: {  	p0 =	sne.s32 s26, s12;
	[sflag:s25] =	ssyncadd.s32 $0xFFFFC180  }
.Ltmp1:
0x17: {  	[bflag:$0x0] =	sbarrier.arrive $0xFFFF;
	(pc) =	sbr.rel @!p0 .LBB2_8-.Ltmp1, $4  }
0x18: {  	[hbm:s11], [sflag:s7] =	dma.local [spmem:s13], $0x2780  }
0x19: {  	_ =	swait.ge [sflag:s14], $0x2780  }
0x1a: {  	[sflag:s14] =	ssyncset.done $0x0  }
0x1b: {  	[sflag:s14] =	ssyncadd.s32 $0xFFFFD880  }
.LBB2_1:
0x1c: {  	[spmem:s13], [sflag:s7] =	dma.local [hbm:s5], $0x2780  }
0x1d: {  	_ =	swait.ge [sflag:s14], $0x2780  }
0x1e: {  	[sflag:s14] =	ssyncset.done $0x0  }
0x1f: {  	[sflag:s14] =	ssyncadd.s32 $0xFFFFD880  }
0x20: {  	[bflag:$0x0] =	sbarrier.arrive $0xFFFF  }
0x21: {  	[tilespmem:s4], [sflag:$0x5] =	stream.linear.gather [hbm4b:s6+s4], $0x1400, $0x38;
	[tilespmem:$0x1E400] =	vst v63  }
0x22: {  	_ =	swait.ge [sflag:s14], $0x1400  }
0x23: {  	[sflag:s14] =	ssyncset.done $0x0  }
0x24: {  	[sflag:s14] =	ssyncadd.s32 $0xFFFFEC00  }
0x25: {  	[tilespmem:s15], [sflag:$0x5] =	stream.linear.gather [hbm4b:s8+s4], $0x1400, $0x38;
	[tilespmem:$0x1E400] =	vst v63  }
0x26: {  	_ =	swait.ge [sflag:s14], $0x1400  }
0x27: {  	[sflag:s14] =	ssyncset.done $0x0  }
0x28: {  	[sflag:s14] =	ssyncadd.s32 $0xFFFFEC00  }
0x29: {  	[tilespmem:s17], [sflag:$0x1] =	stream.indirect.gather [hbm4b:s1+s16], $0x80, s4, s16, $0xb8;
	[tilespmem:$0x1E400] =	vst v63  }
0x2a: {  	_ =	swait.ge [sflag:s18], $0x3E80  }
0x2b: {  	[sflag:s18] =	ssyncset.done $0x0  }
0x2c: {  	[sflag:s18] =	ssyncadd.s32 $0xFFFFC180  }
0x2d: {  	[spmem:s2] =	stream.indirect.scatter.add.f32 [tilespmem:s17], [sflag:$0x3], $0x80, s15, s16, $0xb8;
	[tilespmem:$0x1E400] =	vst v63  }
0x2e: {  	_ = 	snop  }
0x2f: {  	[tilespmem:s20], [sflag:$0x2] =	stream.indirect.gather [hbm4b:s1+s16], $0x80, s19, s16, $0xb8;
	[tilespmem:$0x1E400] =	vst v63  }
0x30: {  	_ =	swait.ge [sflag:s21], $0x3E80  }
0x31: {  	[sflag:s21] =	ssyncset.done $0x0  }
0x32: {  	[sflag:s21] =	ssyncadd.s32 $0xFFFFC180  }
0x33: {  	[spmem:s2] =	stream.indirect.scatter.add.f32 [tilespmem:s20], [sflag:$0x4], $0x80, s22, s16, $0xb8;
	[tilespmem:$0x1E400] =	vst v63  }
0x34: {  	_ =	swait.ge [sflag:s23], $0x3E80  }
0x35: {  	[sflag:s23] =	ssyncset.done $0x0  }
0x36: {  	s28 =	simm.s32 $0xFFFFB800;
	[sflag:s23] =	ssyncadd.s32 $0xFFFFC180  }
0x37: {  	[tilespmem:s17], [sflag:$0x1] =	stream.indirect.gather [hbm4b:s1+s16], $0x80, s24, s16, $0xb8;
	[tilespmem:$0x1E400] =	vst v63  }
.LBB2_2:
0x38: {  	_ =	swait.ge [sflag:s18], $0x3E80  }
0x39: {  	s29 =	sshra.s32 s28, $0x2;
	[sflag:s18] =	ssyncset.done $0x0  }
0x3a: {  	s30 =	sadd.s32 $0x2700, s29;
	[sflag:s18] =	ssyncadd.s32 $0xFFFFC180  }
0x3b: {  	[spmem:s2] =	stream.indirect.scatter.add.f32 [tilespmem:s17], [sflag:$0x3], $0x80, s30, s16, $0xb8;
	[tilespmem:$0x1E400] =	vst v63  }
0x3c: {  	_ =	swait.ge [sflag:s25], $0x3E80  }
0x3d: {  	[sflag:s25] =	ssyncset.done $0x0  }
0x3e: {  	s31 =	sadd.s32 $0x1380, s29;
	[sflag:s25] =	ssyncadd.s32 $0xFFFFC180  }
0x3f: {  	[tilespmem:s20], [sflag:$0x2] =	stream.indirect.gather [hbm4b:s1+s16], $0x80, s31, s16, $0xb8;
	[tilespmem:$0x1E400] =	vst v63  }
0x40: {  	_ =	swait.ge [sflag:s21], $0x3E80  }
0x41: {  	p0 =	seq.s32 s28, $0x0;
	[sflag:s21] =	ssyncset.done $0x0  }
.Ltmp2:
0x42: {  	s31 =	sadd.s32 $0x2780, s29;
	[sflag:s21] =	ssyncadd.s32 $0xFFFFC180;
	(pc) =	sbr.rel @p0 .LBB2_4-.Ltmp2, $4  }
0x43: {  	[spmem:s2] =	stream.indirect.scatter.add.f32 [tilespmem:s20], [sflag:$0x4], $0x80, s31, s16, $0xb8;
	[tilespmem:$0x1E400] =	vst v63  }
0x44: {  	_ =	swait.ge [sflag:s23], $0x3E80  }
0x45: {  	[sflag:s23] =	ssyncset.done $0x0  }
0x46: {  	[sflag:s23] =	ssyncadd.s32 $0xFFFFC180  }
.Ltmp3:
0x47: {  	(pc) =	sbr.rel .LBB2_2-.Ltmp3, $3  }
0x48: {  	_ =	sdelay $0x1  }
0x49: {  	s29 =	sadd.s32 $0x1400, s29;
	s28 =	sadd.s32 $0x400, s28  }
0x4a: {  	[tilespmem:s17], [sflag:$0x1] =	stream.indirect.gather [hbm4b:s1+s16], $0x80, s29, s16, $0xb8;
	[tilespmem:$0x1E400] =	vst v63  }
.LBB2_4:
0x4b: {  	_ =	swait.ge [sflag:s25], $0x3E80  }
0x4c: {  	[sflag:s25] =	ssyncset.done $0x0  }
0x4d: {  	[sflag:s25] =	ssyncadd.s32 $0xFFFFC180  }
0x4e: {  	[tilespmem:s4], [sflag:$0x5] =	stream.linear.gather [hbm4b:s9+s4], $0x1400, $0x38;
	[tilespmem:$0x1E400] =	vst v63  }
0x4f: {  	_ =	swait.ge [sflag:s14], $0x1400  }
0x50: {  	[sflag:s14] =	ssyncset.done $0x0  }
0x51: {  	[sflag:s14] =	ssyncadd.s32 $0xFFFFEC00  }
0x52: {  	[tilespmem:s15], [sflag:$0x5] =	stream.linear.gather [hbm4b:s10+s4], $0x1400, $0x38;
	[tilespmem:$0x1E400] =	vst v63  }
0x53: {  	_ =	swait.ge [sflag:s14], $0x1400  }
0x54: {  	[sflag:s14] =	ssyncset.done $0x0  }
0x55: {  	[sflag:s14] =	ssyncadd.s32 $0xFFFFEC00  }
0x56: {  	[tilespmem:s17], [sflag:$0x1] =	stream.indirect.gather [hbm4b:s1+s16], $0x80, s4, s16, $0xb8;
	[tilespmem:$0x1E400] =	vst v63  }
0x57: {  	_ =	swait.ge [sflag:s18], $0x3E80  }
0x58: {  	[sflag:s18] =	ssyncset.done $0x0  }
0x59: {  	[sflag:s18] =	ssyncadd.s32 $0xFFFFC180  }
0x5a: {  	[spmem:s2] =	stream.indirect.scatter.add.f32 [tilespmem:s17], [sflag:$0x3], $0x80, s15, s16, $0xb8;
	[tilespmem:$0x1E400] =	vst v63  }
0x5b: {  	_ = 	snop  }
0x5c: {  	[tilespmem:s20], [sflag:$0x2] =	stream.indirect.gather [hbm4b:s1+s16], $0x80, s19, s16, $0xb8;
	[tilespmem:$0x1E400] =	vst v63  }
0x5d: {  	_ =	swait.ge [sflag:s21], $0x3E80  }
0x5e: {  	[sflag:s21] =	ssyncset.done $0x0  }
0x5f: {  	[sflag:s21] =	ssyncadd.s32 $0xFFFFC180  }
0x60: {  	[spmem:s2] =	stream.indirect.scatter.add.f32 [tilespmem:s20], [sflag:$0x4], $0x80, s22, s16, $0xb8;
	[tilespmem:$0x1E400] =	vst v63  }
0x61: {  	_ =	swait.ge [sflag:s23], $0x3E80  }
0x62: {  	[sflag:s23] =	ssyncset.done $0x0  }
0x63: {  	s28 =	simm.s32 $0xFFFFB800;
	[sflag:s23] =	ssyncadd.s32 $0xFFFFC180  }
0x64: {  	[tilespmem:s17], [sflag:$0x1] =	stream.indirect.gather [hbm4b:s1+s16], $0x80, s24, s16, $0xb8;
	[tilespmem:$0x1E400] =	vst v63  }
.LBB2_5:
0x65: {  	_ =	swait.ge [sflag:s18], $0x3E80  }
0x66: {  	s29 =	sshra.s32 s28, $0x2;
	[sflag:s18] =	ssyncset.done $0x0  }
0x67: {  	s30 =	sadd.s32 $0x2700, s29;
	[sflag:s18] =	ssyncadd.s32 $0xFFFFC180  }
0x68: {  	[spmem:s2] =	stream.indirect.scatter.add.f32 [tilespmem:s17], [sflag:$0x3], $0x80, s30, s16, $0xb8;
	[tilespmem:$0x1E400] =	vst v63  }
0x69: {  	_ =	swait.ge [sflag:s25], $0x3E80  }
0x6a: {  	[sflag:s25] =	ssyncset.done $0x0  }
0x6b: {  	s31 =	sadd.s32 $0x1380, s29;
	[sflag:s25] =	ssyncadd.s32 $0xFFFFC180  }
0x6c: {  	[tilespmem:s20], [sflag:$0x2] =	stream.indirect.gather [hbm4b:s1+s16], $0x80, s31, s16, $0xb8;
	[tilespmem:$0x1E400] =	vst v63  }
0x6d: {  	_ =	swait.ge [sflag:s21], $0x3E80  }
0x6e: {  	p0 =	seq.s32 s28, $0x0;
	[sflag:s21] =	ssyncset.done $0x0  }
.Ltmp4:
0x6f: {  	s31 =	sadd.s32 $0x2780, s29;
	[sflag:s21] =	ssyncadd.s32 $0xFFFFC180;
	(pc) =	sbr.rel @p0 .LBB2_7-.Ltmp4, $4  }
0x70: {  	[spmem:s2] =	stream.indirect.scatter.add.f32 [tilespmem:s20], [sflag:$0x4], $0x80, s31, s16, $0xb8;
	[tilespmem:$0x1E400] =	vst v63  }
0x71: {  	_ =	swait.ge [sflag:s23], $0x3E80  }
0x72: {  	[sflag:s23] =	ssyncset.done $0x0  }
0x73: {  	[sflag:s23] =	ssyncadd.s32 $0xFFFFC180  }
.Ltmp5:
0x74: {  	(pc) =	sbr.rel .LBB2_5-.Ltmp5, $3  }
0x75: {  	_ =	sdelay $0x1  }
0x76: {  	s29 =	sadd.s32 $0x1400, s29;
	s28 =	sadd.s32 $0x400, s28  }
0x77: {  	[tilespmem:s17], [sflag:$0x1] =	stream.indirect.gather [hbm4b:s1+s16], $0x80, s29, s16, $0xb8;
	[tilespmem:$0x1E400] =	vst v63  }
.LBB2_8:
0x78: {  	_ =	sfence.sel $0x180000  }
0x79: {  	[bflag:$0x0] =	sbarrier.arrive $0xFFFF  }
0x7a: {  	p0 =	sne.s32 s3, $0x0;
	_ =	strace $0x90000047  }
0x7b: {  	s0 =	sadd.s32 @!p0 $0x100000, s0;
	[bflag:$0x2] =	sbarrier.arrive $0xFFFF  }
0x7c: {  	[sflag:s0] =	ssyncadd.tile.s32 @!p0 $0x1;
	_ =	shalt  }
.Lfunc_end2:
_tile_overlayer_lowered:
.L_overlay_start_2:
0x7d: {  	(tag) =	ssettag $0x2  }
0x7e: {  	s0 =	rddreg [dreg:$0x0];
	s2 =	stileid.u32  }
0x7f: {  	s1 =	rddreg [dreg:$0x1];
	p0 =	sne.s32 s2, $0x0  }
0x80: {  	s3 =	rddreg [dreg:$0x2];
	[bflag:$0x3] =	sbarrier.arrive $0xFFFF;
	s2 =	simm.s32 @!p0 $0x1C05  }
0x81: {  	[timem:s3], [sflag:s2] =	dma.local @!p0 [hbm:s0], s1  }
0x82: {  	s0 =	simm.s32 @!p0 $0x5  }
0x83: {  	_ =	swait.ge @!p0 [sflag:s0], s1  }
0x84: {  	s1 =	ssub.s32 @!p0 $0x0, s1;
	[sflag:s0] =	ssyncset.done @!p0 $0x0  }
0x85: {  	[sflag:s0] =	ssyncadd.s32 @!p0 s1  }
0x86: {  	[bflag:$0x3] =	sbarrier.arrive $0xFFFF  }
0x87: {  	_ =	shalt  }

</sc_bundles>
